<compile_context>
chip_gen: v7x
topology: tpu7x:2x2x1
jax: 0.10.2.dev20260603
libtpu: 0.0.44.dev20260713+nightly
codegen_flags: <defaults>
</compile_context>

<pallas_src>
import functools

import jax
import jax.numpy as jnp
from jax import lax
from jax.experimental import pallas as pl
from jax.experimental.pallas import tpu as pltpu
from jax.experimental.pallas import tpu_sc as plsc

N_TOK = 16384
K = 1024
D = 2
T = 2048
G = N_TOK // T

NW = 32
TPW = N_TOK // NW
L = 16
CH = TPW // L



def _dist_body(x_ref, w_ref, idx_ref, loss_ref, acc_ref):
    i = pl.program_id(0)
    x = x_ref[...]
    w = w_ref[...]

    x2 = jnp.sum(x * x, axis=1, keepdims=True)
    w2 = jnp.sum(w * w, axis=1)
    m2 = lax.dot_general(x, w * (-2.0), (((1,), (1,)), ((), ())),
                         preferred_element_type=jnp.float32)
    d = (x2 + w2[None, :]) + m2

    mind = jnp.min(d, axis=1, keepdims=True)
    kio = lax.broadcasted_iota(jnp.int32, (T, K), 1)
    idx = jnp.min(jnp.where(d == mind, kio, K), axis=1)
    idx_ref[...] = idx.reshape(T // 128, 128)

    part = jnp.sum(mind)

    @pl.when(i == 0)
    def _():
        acc_ref[0] = part

    @pl.when(i > 0)
    def _():
        acc_ref[0] = acc_ref[0] + part

    @pl.when(i == G - 1)
    def _():
        loss_ref[0, 0] = acc_ref[0] * (1.0 / (N_TOK * D))


def _tc_indices(inputs, weight):
    return pl.pallas_call(
        _dist_body,
        grid=(G,),
        in_specs=[
            pl.BlockSpec((T, D), lambda i: (i, 0)),
            pl.BlockSpec((K, D), lambda i: (0, 0)),
        ],
        out_specs=[
            pl.BlockSpec((T // 128, 128), lambda i: (i, 0)),
            pl.BlockSpec((1, 1), lambda i: (0, 0), memory_space=pltpu.SMEM),
        ],
        out_shape=[
            jax.ShapeDtypeStruct((N_TOK // 128, 128), jnp.int32),
            jax.ShapeDtypeStruct((1, 1), jnp.float32),
        ],
        scratch_shapes=[
            pltpu.SMEM((1,), jnp.float32),
        ],
    )(inputs, weight)



def _sc_body(idx_hbm, w_hbm, st_hbm, hist_hbm,
             idx_v, w_v, st_v, hist_v):
    wid = lax.axis_index("s") * 2 + lax.axis_index("c")
    base = wid * TPW

    pltpu.sync_copy(idx_hbm.at[pl.ds(base, TPW)], idx_v)
    pltpu.sync_copy(w_hbm, w_v)

    zf = jnp.zeros((L,), jnp.float32)
    for c in range(K // L):
        hist_v[pl.ds(c * L, L)] = zf

    lane = lax.broadcasted_iota(jnp.int32, (L,), 0)
    onef = jnp.ones((L,), jnp.float32)
    for c in range(CH):
        iv = idx_v[pl.ds(c * L, L)]
        w0 = iv * 2
        q0 = plsc.load_gather(w_v, [w0])
        q1 = plsc.load_gather(w_v, [w0 + 1])
        p0 = (lane + c * L) * 2
        plsc.store_scatter(st_v, [p0], q0)
        plsc.store_scatter(st_v, [p0 + 1], q1)
        plsc.addupdate_scatter(hist_v, [iv], onef)

    pltpu.sync_copy(st_v, st_hbm.at[pl.ds(2 * base, 2 * TPW)])
    pltpu.sync_copy(hist_v, hist_hbm.at[wid])


_sc_quantize = functools.partial(
    pl.kernel,
    mesh=plsc.VectorSubcoreMesh(core_axis_name="c", subcore_axis_name="s"),
    out_type=[
        jax.ShapeDtypeStruct((2 * N_TOK,), jnp.float32),
        jax.ShapeDtypeStruct((NW, K), jnp.float32),
    ],
    scratch_types=[
        pltpu.VMEM((TPW,), jnp.int32),
        pltpu.VMEM((2 * K,), jnp.float32),
        pltpu.VMEM((2 * TPW,), jnp.float32),
        pltpu.VMEM((K,), jnp.float32),
    ],
    compiler_params=pltpu.CompilerParams(needs_layout_passes=False),
)(_sc_body)



def _fin_body(hist_ref, perp_out):
    avg = jnp.sum(hist_ref[...], axis=0, keepdims=True) * (1.0 / N_TOK)
    ent = jnp.sum(avg * jnp.log(avg + 1e-10))
    perp_out[...] = jnp.exp(-ent)[None, None]


def _finalize(hist):
    return pl.pallas_call(
        _fin_body,
        out_shape=jax.ShapeDtypeStruct((1, 1), jnp.float32),
    )(hist)


def kernel(inputs, weight):
    idx, loss = _tc_indices(inputs, weight)
    st_flat, hist = _sc_quantize(idx.reshape(N_TOK), weight.reshape(2 * K))
    perp = _finalize(hist)
    return st_flat.reshape(N_TOK, D), perp[0, 0], loss[0, 0]

# --- scband reference (transcript-rebuilt; emitter-appended) ---
"""Pipeline reference for scband-vector-quantizer-67714454389127 (READ-ONLY COPY).

The authoritative reference and input builder live on the scoring server;
editing this copy changes nothing except your own understanding.
"""

import jax, jax.numpy as jnp
import numpy as np

NUM_EMBEDDINGS = 1024
EMBEDDING_DIM = 2
N_TOKENS = 16384


def setup_inputs(seed: int = 0) -> dict:
    key = jax.random.key(seed)
    k1, k2 = jax.random.split(key)
    inputs = jax.random.normal(k1, (N_TOKENS, EMBEDDING_DIM), dtype=jnp.float32)
    # nn.Embedding weight initialized uniform(-1/K, 1/K)
    weight = jax.random.uniform(
        k2, (NUM_EMBEDDINGS, EMBEDDING_DIM), dtype=jnp.float32,
        minval=-1.0 / NUM_EMBEDDINGS, maxval=1.0 / NUM_EMBEDDINGS)
    return {"inputs": inputs, "weight": weight}


def reference(inputs, weight):
    # distances[n, k] = ||inputs_n||^2 + ||w_k||^2 - 2 <inputs_n, w_k>
    distances = (jnp.sum(inputs ** 2, axis=1, keepdims=True)
                 + jnp.sum(weight ** 2, axis=1)
                 - 2.0 * jnp.matmul(inputs, weight.T))
    encoding_indices = jnp.argmin(distances, axis=1)
    n = inputs.shape[0]
    k = weight.shape[0]
    # scatter-overwrite one-hot encodings, faithful to torch scatter_
    encodings = jnp.zeros((n, k), dtype=jnp.float32).at[
        jnp.arange(n), encoding_indices].set(1.0)
    quantized = jnp.matmul(encodings, weight).reshape(-1, 2)
    q_latent_loss = jnp.mean((quantized - jax.lax.stop_gradient(inputs)) ** 2)
    quantized_st = inputs + jax.lax.stop_gradient(quantized - inputs)
    avg_probs = jnp.mean(encodings, axis=0)
    perplexity = jnp.exp(-jnp.sum(avg_probs * jnp.log(avg_probs + 1e-10)))
    return (quantized_st, perplexity, q_latent_loss)

if __name__ == "__main__":
    import jax
    _d = setup_inputs()
    print(jax.jit(kernel)(*tuple(_d.values())))

</pallas_src>

<mosaic_0001>
#map = affine_map<(d0, d1) -> (0)>
#map1 = affine_map<(d0, d1) -> (0, 0)>
module attributes {stable_mosaic.version = 14 : i64} {
  func.func @_sc_body(%arg0: i32, %arg1: i32, %arg2: memref<16384xi32, #tpu.memory_space<hbm>>, %arg3: memref<2048xf32, #tpu.memory_space<hbm>>, %arg4: memref<32768xf32, #tpu.memory_space<hbm>>, %arg5: memref<32x1024xf32, #tpu.memory_space<hbm>>, %arg6: memref<512xi32, #tpu.memory_space<vmem>>, %arg7: memref<2048xf32, #tpu.memory_space<vmem>>, %arg8: memref<1024xf32, #tpu.memory_space<vmem>>, %arg9: memref<1024xf32, #tpu.memory_space<vmem>>) attributes {dimension_semantics = [#tpu.dimension_semantics<core_parallel>, #tpu.dimension_semantics<subcore_parallel>], iteration_bounds = array<i64: 2, 16>, scalar_prefetch = 0 : i64, scratch_operands = 4 : i64, tpu.core_type = #tpu.core_type<sc_vector_subcore>, window_params = [{transform_indices = #map}, {transform_indices = #map}, {transform_indices = #map}, {transform_indices = #map1}]} {
    %mul3A = arith.constant 2 : i32
    %mul3A_0 = arith.muli %arg1, %mul3A : i32
    %add3A = arith.addi %mul3A_0, %arg0 : i32
    %mul3A_1 = arith.constant 512 : i32
    %mul3A_2 = arith.muli %add3A, %mul3A_1 : i32
    "tpu.region"() ({
      %run_scoped3A = tpu.sem_alloc : memref<!tpu.dma_semaphore, #tpu.memory_space<semaphore_mem>>
      %dma_start3A = tpu.memref_slice %arg2[%mul3A_2] : memref<16384xi32, #tpu.memory_space<hbm>> -> memref<512xi32, #tpu.memory_space<hbm>>
      %dma_start3A_741 = tpu.memref_slice %arg2[%mul3A_2] : memref<16384xi32, #tpu.memory_space<hbm>> -> memref<512xi32, #tpu.memory_space<hbm>>
      tpu.enqueue_dma source(%dma_start3A_741 : memref<512xi32, #tpu.memory_space<hbm>>) target(%arg6 : memref<512xi32, #tpu.memory_space<vmem>>) target_semaphore(%run_scoped3A : memref<!tpu.dma_semaphore, #tpu.memory_space<semaphore_mem>>)
      %dma_wait3A = tpu.memref_slice %arg2[%mul3A_2] : memref<16384xi32, #tpu.memory_space<hbm>> -> memref<512xi32, #tpu.memory_space<hbm>>
      %dma_wait3A_742 = tpu.memref_slice %arg2[%mul3A_2] : memref<16384xi32, #tpu.memory_space<hbm>> -> memref<512xi32, #tpu.memory_space<hbm>>
      tpu.wait_dma2 semaphore(%run_scoped3A : memref<!tpu.dma_semaphore, #tpu.memory_space<semaphore_mem>>) src(%dma_wait3A_742 : memref<512xi32, #tpu.memory_space<hbm>>) dst(%arg6 : memref<512xi32, #tpu.memory_space<vmem>>)
      tpu.yield
    }) : () -> ()
    "tpu.region"() ({
      %run_scoped3A = tpu.sem_alloc : memref<!tpu.dma_semaphore, #tpu.memory_space<semaphore_mem>>
      tpu.enqueue_dma source(%arg3 : memref<2048xf32, #tpu.memory_space<hbm>>) target(%arg7 : memref<2048xf32, #tpu.memory_space<vmem>>) target_semaphore(%run_scoped3A : memref<!tpu.dma_semaphore, #tpu.memory_space<semaphore_mem>>)
      tpu.wait_dma2 semaphore(%run_scoped3A : memref<!tpu.dma_semaphore, #tpu.memory_space<semaphore_mem>>) src(%arg3 : memref<2048xf32, #tpu.memory_space<hbm>>) dst(%arg7 : memref<2048xf32, #tpu.memory_space<vmem>>)
      tpu.yield
    }) : () -> ()
    %broadcast_in_dim3A = arith.constant 0.000000e+00 : f32
    %broadcast_in_dim3A_3 = vector.broadcast %broadcast_in_dim3A : f32 to vector<16xf32>
    %swap3A = arith.constant 0 : index
    %swap3A_4 = tpu.vector_load %arg9[%swap3A] {strides = array<i32>} : memref<1024xf32, #tpu.memory_space<vmem>>, vector<16xf32>,
    tpu.vector_store %arg9[%swap3A], %broadcast_in_dim3A_3 {strides = array<i32>} : memref<1024xf32, #tpu.memory_space<vmem>>, vector<16xf32>,
    %swap3A_5 = arith.constant 16 : index
    %swap3A_6 = tpu.vector_load %arg9[%swap3A_5] {strides = array<i32>} : memref<1024xf32, #tpu.memory_space<vmem>>, vector<16xf32>,
    tpu.vector_store %arg9[%swap3A_5], %broadcast_in_dim3A_3 {strides = array<i32>} : memref<1024xf32, #tpu.memory_space<vmem>>, vector<16xf32>,
    %swap3A_7 = arith.constant 32 : index
    %swap3A_8 = tpu.vector_load %arg9[%swap3A_7] {strides = array<i32>} : memref<1024xf32, #tpu.memory_space<vmem>>, vector<16xf32>,
    tpu.vector_store %arg9[%swap3A_7], %broadcast_in_dim3A_3 {strides = array<i32>} : memref<1024xf32, #tpu.memory_space<vmem>>, vector<16xf32>,
    %swap3A_9 = arith.constant 48 : index
    %swap3A_10 = tpu.vector_load %arg9[%swap3A_9] {strides = array<i32>} : memref<1024xf32, #tpu.memory_space<vmem>>, vector<16xf32>,
    tpu.vector_store %arg9[%swap3A_9], %broadcast_in_dim3A_3 {strides = array<i32>} : memref<1024xf32, #tpu.memory_space<vmem>>, vector<16xf32>,
    %swap3A_11 = arith.constant 64 : index
    %swap3A_12 = tpu.vector_load %arg9[%swap3A_11] {strides = array<i32>} : memref<1024xf32, #tpu.memory_space<vmem>>, vector<16xf32>,
    tpu.vector_store %arg9[%swap3A_11], %broadcast_in_dim3A_3 {strides = array<i32>} : memref<1024xf32, #tpu.memory_space<vmem>>, vector<16xf32>,
    %swap3A_13 = arith.constant 80 : index
    %swap3A_14 = tpu.vector_load %arg9[%swap3A_13] {strides = array<i32>} : memref<1024xf32, #tpu.memory_space<vmem>>, vector<16xf32>,
    tpu.vector_store %arg9[%swap3A_13], %broadcast_in_dim3A_3 {strides = array<i32>} : memref<1024xf32, #tpu.memory_space<vmem>>, vector<16xf32>,
    %swap3A_15 = arith.constant 96 : index
    %swap3A_16 = tpu.vector_load %arg9[%swap3A_15] {strides = array<i32>} : memref<1024xf32, #tpu.memory_space<vmem>>, vector<16xf32>,
    tpu.vector_store %arg9[%swap3A_15], %broadcast_in_dim3A_3 {strides = array<i32>} : memref<1024xf32, #tpu.memory_space<vmem>>, vector<16xf32>,
    %swap3A_17 = arith.constant 112 : index
    %swap3A_18 = tpu.vector_load %arg9[%swap3A_17] {strides = array<i32>} : memref<1024xf32, #tpu.memory_space<vmem>>, vector<16xf32>,
    tpu.vector_store %arg9[%swap3A_17], %broadcast_in_dim3A_3 {strides = array<i32>} : memref<1024xf32, #tpu.memory_space<vmem>>, vector<16xf32>,
    %swap3A_19 = arith.constant 128 : index
    %swap3A_20 = tpu.vector_load %arg9[%swap3A_19] {strides = array<i32>} : memref<1024xf32, #tpu.memory_space<vmem>>, vector<16xf32>,
    tpu.vector_store %arg9[%swap3A_19], %broadcast_in_dim3A_3 {strides = array<i32>} : memref<1024xf32, #tpu.memory_space<vmem>>, vector<16xf32>,
    %swap3A_21 = arith.constant 144 : index
    %swap3A_22 = tpu.vector_load %arg9[%swap3A_21] {strides = array<i32>} : memref<1024xf32, #tpu.memory_space<vmem>>, vector<16xf32>,
    tpu.vector_store %arg9[%swap3A_21], %broadcast_in_dim3A_3 {strides = array<i32>} : memref<1024xf32, #tpu.memory_space<vmem>>, vector<16xf32>,
    %swap3A_23 = arith.constant 160 : index
    %swap3A_24 = tpu.vector_load %arg9[%swap3A_23] {strides = array<i32>} : memref<1024xf32, #tpu.memory_space<vmem>>, vector<16xf32>,
    tpu.vector_store %arg9[%swap3A_23], %broadcast_in_dim3A_3 {strides = array<i32>} : memref<1024xf32, #tpu.memory_space<vmem>>, vector<16xf32>,
    %swap3A_25 = arith.constant 176 : index
    %swap3A_26 = tpu.vector_load %arg9[%swap3A_25] {strides = array<i32>} : memref<1024xf32, #tpu.memory_space<vmem>>, vector<16xf32>,
    tpu.vector_store %arg9[%swap3A_25], %broadcast_in_dim3A_3 {strides = array<i32>} : memref<1024xf32, #tpu.memory_space<vmem>>, vector<16xf32>,
    %swap3A_27 = arith.constant 192 : index
    %swap3A_28 = tpu.vector_load %arg9[%swap3A_27] {strides = array<i32>} : memref<1024xf32, #tpu.memory_space<vmem>>, vector<16xf32>,
    tpu.vector_store %arg9[%swap3A_27], %broadcast_in_dim3A_3 {strides = array<i32>} : memref<1024xf32, #tpu.memory_space<vmem>>, vector<16xf32>,
    %swap3A_29 = arith.constant 208 : index
    %swap3A_30 = tpu.vector_load %arg9[%swap3A_29] {strides = array<i32>} : memref<1024xf32, #tpu.memory_space<vmem>>, vector<16xf32>,
    tpu.vector_store %arg9[%swap3A_29], %broadcast_in_dim3A_3 {strides = array<i32>} : memref<1024xf32, #tpu.memory_space<vmem>>, vector<16xf32>,
    %swap3A_31 = arith.constant 224 : index
    %swap3A_32 = tpu.vector_load %arg9[%swap3A_31] {strides = array<i32>} : memref<1024xf32, #tpu.memory_space<vmem>>, vector<16xf32>,
    tpu.vector_store %arg9[%swap3A_31], %broadcast_in_dim3A_3 {strides = array<i32>} : memref<1024xf32, #tpu.memory_space<vmem>>, vector<16xf32>,
    %swap3A_33 = arith.constant 240 : index
    %swap3A_34 = tpu.vector_load %arg9[%swap3A_33] {strides = array<i32>} : memref<1024xf32, #tpu.memory_space<vmem>>, vector<16xf32>,
    tpu.vector_store %arg9[%swap3A_33], %broadcast_in_dim3A_3 {strides = array<i32>} : memref<1024xf32, #tpu.memory_space<vmem>>, vector<16xf32>,
    %swap3A_35 = arith.constant 256 : index
    %swap3A_36 = tpu.vector_load %arg9[%swap3A_35] {strides = array<i32>} : memref<1024xf32, #tpu.memory_space<vmem>>, vector<16xf32>,
    tpu.vector_store %arg9[%swap3A_35], %broadcast_in_dim3A_3 {strides = array<i32>} : memref<1024xf32, #tpu.memory_space<vmem>>, vector<16xf32>,
    %swap3A_37 = arith.constant 272 : index
    %swap3A_38 = tpu.vector_load %arg9[%swap3A_37] {strides = array<i32>} : memref<1024xf32, #tpu.memory_space<vmem>>, vector<16xf32>,
    tpu.vector_store %arg9[%swap3A_37], %broadcast_in_dim3A_3 {strides = array<i32>} : memref<1024xf32, #tpu.memory_space<vmem>>, vector<16xf32>,
    %swap3A_39 = arith.constant 288 : index
    %swap3A_40 = tpu.vector_load %arg9[%swap3A_39] {strides = array<i32>} : memref<1024xf32, #tpu.memory_space<vmem>>, vector<16xf32>,
    tpu.vector_store %arg9[%swap3A_39], %broadcast_in_dim3A_3 {strides = array<i32>} : memref<1024xf32, #tpu.memory_space<vmem>>, vector<16xf32>,
    %swap3A_41 = arith.constant 304 : index
    %swap3A_42 = tpu.vector_load %arg9[%swap3A_41] {strides = array<i32>} : memref<1024xf32, #tpu.memory_space<vmem>>, vector<16xf32>,
    tpu.vector_store %arg9[%swap3A_41], %broadcast_in_dim3A_3 {strides = array<i32>} : memref<1024xf32, #tpu.memory_space<vmem>>, vector<16xf32>,
    %swap3A_43 = arith.constant 320 : index
    %swap3A_44 = tpu.vector_load %arg9[%swap3A_43] {strides = array<i32>} : memref<1024xf32, #tpu.memory_space<vmem>>, vector<16xf32>,
    tpu.vector_store %arg9[%swap3A_43], %broadcast_in_dim3A_3 {strides = array<i32>} : memref<1024xf32, #tpu.memory_space<vmem>>, vector<16xf32>,
    %swap3A_45 = arith.constant 336 : index
    %swap3A_46 = tpu.vector_load %arg9[%swap3A_45] {strides = array<i32>} : memref<1024xf32, #tpu.memory_space<vmem>>, vector<16xf32>,
    tpu.vector_store %arg9[%swap3A_45], %broadcast_in_dim3A_3 {strides = array<i32>} : memref<1024xf32, #tpu.memory_space<vmem>>, vector<16xf32>,
    %swap3A_47 = arith.constant 352 : index
    %swap3A_48 = tpu.vector_load %arg9[%swap3A_47] {strides = array<i32>} : memref<1024xf32, #tpu.memory_space<vmem>>, vector<16xf32>,
    tpu.vector_store %arg9[%swap3A_47], %broadcast_in_dim3A_3 {strides = array<i32>} : memref<1024xf32, #tpu.memory_space<vmem>>, vector<16xf32>,
    %swap3A_49 = arith.constant 368 : index
    %swap3A_50 = tpu.vector_load %arg9[%swap3A_49] {strides = array<i32>} : memref<1024xf32, #tpu.memory_space<vmem>>, vector<16xf32>,
    tpu.vector_store %arg9[%swap3A_49], %broadcast_in_dim3A_3 {strides = array<i32>} : memref<1024xf32, #tpu.memory_space<vmem>>, vector<16xf32>,
    %swap3A_51 = arith.constant 384 : index
    %swap3A_52 = tpu.vector_load %arg9[%swap3A_51] {strides = array<i32>} : memref<1024xf32, #tpu.memory_space<vmem>>, vector<16xf32>,
    tpu.vector_store %arg9[%swap3A_51], %broadcast_in_dim3A_3 {strides = array<i32>} : memref<1024xf32, #tpu.memory_space<vmem>>, vector<16xf32>,
    %swap3A_53 = arith.constant 400 : index
    %swap3A_54 = tpu.vector_load %arg9[%swap3A_53] {strides = array<i32>} : memref<1024xf32, #tpu.memory_space<vmem>>, vector<16xf32>,
    tpu.vector_store %arg9[%swap3A_53], %broadcast_in_dim3A_3 {strides = array<i32>} : memref<1024xf32, #tpu.memory_space<vmem>>, vector<16xf32>,
    %swap3A_55 = arith.constant 416 : index
    %swap3A_56 = tpu.vector_load %arg9[%swap3A_55] {strides = array<i32>} : memref<1024xf32, #tpu.memory_space<vmem>>, vector<16xf32>,
    tpu.vector_store %arg9[%swap3A_55], %broadcast_in_dim3A_3 {strides = array<i32>} : memref<1024xf32, #tpu.memory_space<vmem>>, vector<16xf32>,
    %swap3A_57 = arith.constant 432 : index
    %swap3A_58 = tpu.vector_load %arg9[%swap3A_57] {strides = array<i32>} : memref<1024xf32, #tpu.memory_space<vmem>>, vector<16xf32>,
    tpu.vector_store %arg9[%swap3A_57], %broadcast_in_dim3A_3 {strides = array<i32>} : memref<1024xf32, #tpu.memory_space<vmem>>, vector<16xf32>,
    %swap3A_59 = arith.constant 448 : index
    %swap3A_60 = tpu.vector_load %arg9[%swap3A_59] {strides = array<i32>} : memref<1024xf32, #tpu.memory_space<vmem>>, vector<16xf32>,
    tpu.vector_store %arg9[%swap3A_59], %broadcast_in_dim3A_3 {strides = array<i32>} : memref<1024xf32, #tpu.memory_space<vmem>>, vector<16xf32>,
    %swap3A_61 = arith.constant 464 : index
    %swap3A_62 = tpu.vector_load %arg9[%swap3A_61] {strides = array<i32>} : memref<1024xf32, #tpu.memory_space<vmem>>, vector<16xf32>,
    tpu.vector_store %arg9[%swap3A_61], %broadcast_in_dim3A_3 {strides = array<i32>} : memref<1024xf32, #tpu.memory_space<vmem>>, vector<16xf32>,
    %swap3A_63 = arith.constant 480 : index
    %swap3A_64 = tpu.vector_load %arg9[%swap3A_63] {strides = array<i32>} : memref<1024xf32, #tpu.memory_space<vmem>>, vector<16xf32>,
    tpu.vector_store %arg9[%swap3A_63], %broadcast_in_dim3A_3 {strides = array<i32>} : memref<1024xf32, #tpu.memory_space<vmem>>, vector<16xf32>,
    %swap3A_65 = arith.constant 496 : index
    %swap3A_66 = tpu.vector_load %arg9[%swap3A_65] {strides = array<i32>} : memref<1024xf32, #tpu.memory_space<vmem>>, vector<16xf32>,
    tpu.vector_store %arg9[%swap3A_65], %broadcast_in_dim3A_3 {strides = array<i32>} : memref<1024xf32, #tpu.memory_space<vmem>>, vector<16xf32>,
    %swap3A_67 = arith.constant 512 : index
    %swap3A_68 = tpu.vector_load %arg9[%swap3A_67] {strides = array<i32>} : memref<1024xf32, #tpu.memory_space<vmem>>, vector<16xf32>,
    tpu.vector_store %arg9[%swap3A_67], %broadcast_in_dim3A_3 {strides = array<i32>} : memref<1024xf32, #tpu.memory_space<vmem>>, vector<16xf32>,
    %swap3A_69 = arith.constant 528 : index
    %swap3A_70 = tpu.vector_load %arg9[%swap3A_69] {strides = array<i32>} : memref<1024xf32, #tpu.memory_space<vmem>>, vector<16xf32>,
    tpu.vector_store %arg9[%swap3A_69], %broadcast_in_dim3A_3 {strides = array<i32>} : memref<1024xf32, #tpu.memory_space<vmem>>, vector<16xf32>,
    %swap3A_71 = arith.constant 544 : index
    %swap3A_72 = tpu.vector_load %arg9[%swap3A_71] {strides = array<i32>} : memref<1024xf32, #tpu.memory_space<vmem>>, vector<16xf32>,
    tpu.vector_store %arg9[%swap3A_71], %broadcast_in_dim3A_3 {strides = array<i32>} : memref<1024xf32, #tpu.memory_space<vmem>>, vector<16xf32>,
    %swap3A_73 = arith.constant 560 : index
    %swap3A_74 = tpu.vector_load %arg9[%swap3A_73] {strides = array<i32>} : memref<1024xf32, #tpu.memory_space<vmem>>, vector<16xf32>,
    tpu.vector_store %arg9[%swap3A_73], %broadcast_in_dim3A_3 {strides = array<i32>} : memref<1024xf32, #tpu.memory_space<vmem>>, vector<16xf32>,
    %swap3A_75 = arith.constant 576 : index
    %swap3A_76 = tpu.vector_load %arg9[%swap3A_75] {strides = array<i32>} : memref<1024xf32, #tpu.memory_space<vmem>>, vector<16xf32>,
    tpu.vector_store %arg9[%swap3A_75], %broadcast_in_dim3A_3 {strides = array<i32>} : memref<1024xf32, #tpu.memory_space<vmem>>, vector<16xf32>,
    %swap3A_77 = arith.constant 592 : index
    %swap3A_78 = tpu.vector_load %arg9[%swap3A_77] {strides = array<i32>} : memref<1024xf32, #tpu.memory_space<vmem>>, vector<16xf32>,
    tpu.vector_store %arg9[%swap3A_77], %broadcast_in_dim3A_3 {strides = array<i32>} : memref<1024xf32, #tpu.memory_space<vmem>>, vector<16xf32>,
    %swap3A_79 = arith.constant 608 : index
    %swap3A_80 = tpu.vector_load %arg9[%swap3A_79] {strides = array<i32>} : memref<1024xf32, #tpu.memory_space<vmem>>, vector<16xf32>,
    tpu.vector_store %arg9[%swap3A_79], %broadcast_in_dim3A_3 {strides = array<i32>} : memref<1024xf32, #tpu.memory_space<vmem>>, vector<16xf32>,
    %swap3A_81 = arith.constant 624 : index
    %swap3A_82 = tpu.vector_load %arg9[%swap3A_81] {strides = array<i32>} : memref<1024xf32, #tpu.memory_space<vmem>>, vector<16xf32>,
    tpu.vector_store %arg9[%swap3A_81], %broadcast_in_dim3A_3 {strides = array<i32>} : memref<1024xf32, #tpu.memory_space<vmem>>, vector<16xf32>,
    %swap3A_83 = arith.constant 640 : index
    %swap3A_84 = tpu.vector_load %arg9[%swap3A_83] {strides = array<i32>} : memref<1024xf32, #tpu.memory_space<vmem>>, vector<16xf32>,
    tpu.vector_store %arg9[%swap3A_83], %broadcast_in_dim3A_3 {strides = array<i32>} : memref<1024xf32, #tpu.memory_space<vmem>>, vector<16xf32>,
    %swap3A_85 = arith.constant 656 : index
    %swap3A_86 = tpu.vector_load %arg9[%swap3A_85] {strides = array<i32>} : memref<1024xf32, #tpu.memory_space<vmem>>, vector<16xf32>,
    tpu.vector_store %arg9[%swap3A_85], %broadcast_in_dim3A_3 {strides = array<i32>} : memref<1024xf32, #tpu.memory_space<vmem>>, vector<16xf32>,
    %swap3A_87 = arith.constant 672 : index
    %swap3A_88 = tpu.vector_load %arg9[%swap3A_87] {strides = array<i32>} : memref<1024xf32, #tpu.memory_space<vmem>>, vector<16xf32>,
    tpu.vector_store %arg9[%swap3A_87], %broadcast_in_dim3A_3 {strides = array<i32>} : memref<1024xf32, #tpu.memory_space<vmem>>, vector<16xf32>,
    %swap3A_89 = arith.constant 688 : index
    %swap3A_90 = tpu.vector_load %arg9[%swap3A_89] {strides = array<i32>} : memref<1024xf32, #tpu.memory_space<vmem>>, vector<16xf32>,
    tpu.vector_store %arg9[%swap3A_89], %broadcast_in_dim3A_3 {strides = array<i32>} : memref<1024xf32, #tpu.memory_space<vmem>>, vector<16xf32>,
    %swap3A_91 = arith.constant 704 : index
    %swap3A_92 = tpu.vector_load %arg9[%swap3A_91] {strides = array<i32>} : memref<1024xf32, #tpu.memory_space<vmem>>, vector<16xf32>,
    tpu.vector_store %arg9[%swap3A_91], %broadcast_in_dim3A_3 {strides = array<i32>} : memref<1024xf32, #tpu.memory_space<vmem>>, vector<16xf32>,
    %swap3A_93 = arith.constant 720 : index
    %swap3A_94 = tpu.vector_load %arg9[%swap3A_93] {strides = array<i32>} : memref<1024xf32, #tpu.memory_space<vmem>>, vector<16xf32>,
    tpu.vector_store %arg9[%swap3A_93], %broadcast_in_dim3A_3 {strides = array<i32>} : memref<1024xf32, #tpu.memory_space<vmem>>, vector<16xf32>,
    %swap3A_95 = arith.constant 736 : index
    %swap3A_96 = tpu.vector_load %arg9[%swap3A_95] {strides = array<i32>} : memref<1024xf32, #tpu.memory_space<vmem>>, vector<16xf32>,
    tpu.vector_store %arg9[%swap3A_95], %broadcast_in_dim3A_3 {strides = array<i32>} : memref<1024xf32, #tpu.memory_space<vmem>>, vector<16xf32>,
    %swap3A_97 = arith.constant 752 : index
    %swap3A_98 = tpu.vector_load %arg9[%swap3A_97] {strides = array<i32>} : memref<1024xf32, #tpu.memory_space<vmem>>, vector<16xf32>,
    tpu.vector_store %arg9[%swap3A_97], %broadcast_in_dim3A_3 {strides = array<i32>} : memref<1024xf32, #tpu.memory_space<vmem>>, vector<16xf32>,
    %swap3A_99 = arith.constant 768 : index
    %swap3A_100 = tpu.vector_load %arg9[%swap3A_99] {strides = array<i32>} : memref<1024xf32, #tpu.memory_space<vmem>>, vector<16xf32>,
    tpu.vector_store %arg9[%swap3A_99], %broadcast_in_dim3A_3 {strides = array<i32>} : memref<1024xf32, #tpu.memory_space<vmem>>, vector<16xf32>,
    %swap3A_101 = arith.constant 784 : index
    %swap3A_102 = tpu.vector_load %arg9[%swap3A_101] {strides = array<i32>} : memref<1024xf32, #tpu.memory_space<vmem>>, vector<16xf32>,
    tpu.vector_store %arg9[%swap3A_101], %broadcast_in_dim3A_3 {strides = array<i32>} : memref<1024xf32, #tpu.memory_space<vmem>>, vector<16xf32>,
    %swap3A_103 = arith.constant 800 : index
    %swap3A_104 = tpu.vector_load %arg9[%swap3A_103] {strides = array<i32>} : memref<1024xf32, #tpu.memory_space<vmem>>, vector<16xf32>,
    tpu.vector_store %arg9[%swap3A_103], %broadcast_in_dim3A_3 {strides = array<i32>} : memref<1024xf32, #tpu.memory_space<vmem>>, vector<16xf32>,
    %swap3A_105 = arith.constant 816 : index
    %swap3A_106 = tpu.vector_load %arg9[%swap3A_105] {strides = array<i32>} : memref<1024xf32, #tpu.memory_space<vmem>>, vector<16xf32>,
    tpu.vector_store %arg9[%swap3A_105], %broadcast_in_dim3A_3 {strides = array<i32>} : memref<1024xf32, #tpu.memory_space<vmem>>, vector<16xf32>,
    %swap3A_107 = arith.constant 832 : index
    %swap3A_108 = tpu.vector_load %arg9[%swap3A_107] {strides = array<i32>} : memref<1024xf32, #tpu.memory_space<vmem>>, vector<16xf32>,
    tpu.vector_store %arg9[%swap3A_107], %broadcast_in_dim3A_3 {strides = array<i32>} : memref<1024xf32, #tpu.memory_space<vmem>>, vector<16xf32>,
    %swap3A_109 = arith.constant 848 : index
    %swap3A_110 = tpu.vector_load %arg9[%swap3A_109] {strides = array<i32>} : memref<1024xf32, #tpu.memory_space<vmem>>, vector<16xf32>,
    tpu.vector_store %arg9[%swap3A_109], %broadcast_in_dim3A_3 {strides = array<i32>} : memref<1024xf32, #tpu.memory_space<vmem>>, vector<16xf32>,
    %swap3A_111 = arith.constant 864 : index
    %swap3A_112 = tpu.vector_load %arg9[%swap3A_111] {strides = array<i32>} : memref<1024xf32, #tpu.memory_space<vmem>>, vector<16xf32>,
    tpu.vector_store %arg9[%swap3A_111], %broadcast_in_dim3A_3 {strides = array<i32>} : memref<1024xf32, #tpu.memory_space<vmem>>, vector<16xf32>,
    %swap3A_113 = arith.constant 880 : index
    %swap3A_114 = tpu.vector_load %arg9[%swap3A_113] {strides = array<i32>} : memref<1024xf32, #tpu.memory_space<vmem>>, vector<16xf32>,
    tpu.vector_store %arg9[%swap3A_113], %broadcast_in_dim3A_3 {strides = array<i32>} : memref<1024xf32, #tpu.memory_space<vmem>>, vector<16xf32>,
    %swap3A_115 = arith.constant 896 : index
    %swap3A_116 = tpu.vector_load %arg9[%swap3A_115] {strides = array<i32>} : memref<1024xf32, #tpu.memory_space<vmem>>, vector<16xf32>,
    tpu.vector_store %arg9[%swap3A_115], %broadcast_in_dim3A_3 {strides = array<i32>} : memref<1024xf32, #tpu.memory_space<vmem>>, vector<16xf32>,
    %swap3A_117 = arith.constant 912 : index
    %swap3A_118 = tpu.vector_load %arg9[%swap3A_117] {strides = array<i32>} : memref<1024xf32, #tpu.memory_space<vmem>>, vector<16xf32>,
    tpu.vector_store %arg9[%swap3A_117], %broadcast_in_dim3A_3 {strides = array<i32>} : memref<1024xf32, #tpu.memory_space<vmem>>, vector<16xf32>,
    %swap3A_119 = arith.constant 928 : index
    %swap3A_120 = tpu.vector_load %arg9[%swap3A_119] {strides = array<i32>} : memref<1024xf32, #tpu.memory_space<vmem>>, vector<16xf32>,
    tpu.vector_store %arg9[%swap3A_119], %broadcast_in_dim3A_3 {strides = array<i32>} : memref<1024xf32, #tpu.memory_space<vmem>>, vector<16xf32>,
    %swap3A_121 = arith.constant 944 : index
    %swap3A_122 = tpu.vector_load %arg9[%swap3A_121] {strides = array<i32>} : memref<1024xf32, #tpu.memory_space<vmem>>, vector<16xf32>,
    tpu.vector_store %arg9[%swap3A_121], %broadcast_in_dim3A_3 {strides = array<i32>} : memref<1024xf32, #tpu.memory_space<vmem>>, vector<16xf32>,
    %swap3A_123 = arith.constant 960 : index
    %swap3A_124 = tpu.vector_load %arg9[%swap3A_123] {strides = array<i32>} : memref<1024xf32, #tpu.memory_space<vmem>>, vector<16xf32>,
    tpu.vector_store %arg9[%swap3A_123], %broadcast_in_dim3A_3 {strides = array<i32>} : memref<1024xf32, #tpu.memory_space<vmem>>, vector<16xf32>,
    %swap3A_125 = arith.constant 976 : index
    %swap3A_126 = tpu.vector_load %arg9[%swap3A_125] {strides = array<i32>} : memref<1024xf32, #tpu.memory_space<vmem>>, vector<16xf32>,
    tpu.vector_store %arg9[%swap3A_125], %broadcast_in_dim3A_3 {strides = array<i32>} : memref<1024xf32, #tpu.memory_space<vmem>>, vector<16xf32>,
    %swap3A_127 = arith.constant 992 : index
    %swap3A_128 = tpu.vector_load %arg9[%swap3A_127] {strides = array<i32>} : memref<1024xf32, #tpu.memory_space<vmem>>, vector<16xf32>,
    tpu.vector_store %arg9[%swap3A_127], %broadcast_in_dim3A_3 {strides = array<i32>} : memref<1024xf32, #tpu.memory_space<vmem>>, vector<16xf32>,
    %swap3A_129 = arith.constant 1008 : index
    %swap3A_130 = tpu.vector_load %arg9[%swap3A_129] {strides = array<i32>} : memref<1024xf32, #tpu.memory_space<vmem>>, vector<16xf32>,
    tpu.vector_store %arg9[%swap3A_129], %broadcast_in_dim3A_3 {strides = array<i32>} : memref<1024xf32, #tpu.memory_space<vmem>>, vector<16xf32>,
    %iota3A = tpu.iota {dimensions = array<i32: 0>} : vector<16xi32>
    %broadcast_in_dim3A_131 = arith.constant 1.000000e+00 : f32
    %broadcast_in_dim3A_132 = vector.broadcast %broadcast_in_dim3A_131 : f32 to vector<16xf32>
    %get3A = arith.constant 0 : index
    %get3A_133 = tpu.vector_load %arg6[%get3A] {strides = array<i32>} : memref<512xi32, #tpu.memory_space<vmem>>, vector<16xi32>,
    %mul3A_134 = arith.constant 2 : i32
    %mul3A_135 = vector.broadcast %mul3A_134 : i32 to vector<16xi32>
    %mul3A_136 = arith.muli %get3A_133, %mul3A_135 : vector<16xi32>
    %gather3A = tpu.vector_load_idx %arg7[%mul3A_136] : memref<2048xf32, #tpu.memory_space<vmem>>[vector<16xi32>], vector<16xf32>,
    %add3A_137 = arith.constant 1 : i32
    %add3A_138 = vector.broadcast %add3A_137 : i32 to vector<16xi32>
    %add3A_139 = arith.addi %mul3A_136, %add3A_138 : vector<16xi32>
    %gather3A_140 = tpu.vector_load_idx %arg7[%add3A_139] : memref<2048xf32, #tpu.memory_space<vmem>>[vector<16xi32>], vector<16xf32>,
    %add3A_141 = arith.constant 0 : i32
    %add3A_142 = vector.broadcast %add3A_141 : i32 to vector<16xi32>
    %add3A_143 = arith.addi %iota3A, %add3A_142 : vector<16xi32>
    %mul3A_144 = arith.constant 2 : i32
    %mul3A_145 = vector.broadcast %mul3A_144 : i32 to vector<16xi32>
    %mul3A_146 = arith.muli %add3A_143, %mul3A_145 : vector<16xi32>
    tpu.vector_store_idx %arg8[%mul3A_146], %gather3A : memref<1024xf32, #tpu.memory_space<vmem>>[vector<16xi32>], vector<16xf32>,
    %add3A_147 = arith.constant 1 : i32
    %add3A_148 = vector.broadcast %add3A_147 : i32 to vector<16xi32>
    %add3A_149 = arith.addi %mul3A_146, %add3A_148 : vector<16xi32>
    tpu.vector_store_idx %arg8[%add3A_149], %gather3A_140 : memref<1024xf32, #tpu.memory_space<vmem>>[vector<16xi32>], vector<16xf32>,
    tpu.vector_store_idx %arg9[%get3A_133], %broadcast_in_dim3A_132 {add = true} : memref<1024xf32, #tpu.memory_space<vmem>>[vector<16xi32>], vector<16xf32>,
    %get3A_150 = arith.constant 16 : index
    %get3A_151 = tpu.vector_load %arg6[%get3A_150] {strides = array<i32>} : memref<512xi32, #tpu.memory_space<vmem>>, vector<16xi32>,
    %mul3A_152 = arith.constant 2 : i32
    %mul3A_153 = vector.broadcast %mul3A_152 : i32 to vector<16xi32>
    %mul3A_154 = arith.muli %get3A_151, %mul3A_153 : vector<16xi32>
    %gather3A_155 = tpu.vector_load_idx %arg7[%mul3A_154] : memref<2048xf32, #tpu.memory_space<vmem>>[vector<16xi32>], vector<16xf32>,
    %add3A_156 = arith.constant 1 : i32
    %add3A_157 = vector.broadcast %add3A_156 : i32 to vector<16xi32>
    %add3A_158 = arith.addi %mul3A_154, %add3A_157 : vector<16xi32>
    %gather3A_159 = tpu.vector_load_idx %arg7[%add3A_158] : memref<2048xf32, #tpu.memory_space<vmem>>[vector<16xi32>], vector<16xf32>,
    %add3A_160 = arith.constant 16 : i32
    %add3A_161 = vector.broadcast %add3A_160 : i32 to vector<16xi32>
    %add3A_162 = arith.addi %iota3A, %add3A_161 : vector<16xi32>
    %mul3A_163 = arith.constant 2 : i32
    %mul3A_164 = vector.broadcast %mul3A_163 : i32 to vector<16xi32>
    %mul3A_165 = arith.muli %add3A_162, %mul3A_164 : vector<16xi32>
    tpu.vector_store_idx %arg8[%mul3A_165], %gather3A_155 : memref<1024xf32, #tpu.memory_space<vmem>>[vector<16xi32>], vector<16xf32>,
    %add3A_166 = arith.constant 1 : i32
    %add3A_167 = vector.broadcast %add3A_166 : i32 to vector<16xi32>
    %add3A_168 = arith.addi %mul3A_165, %add3A_167 : vector<16xi32>
    tpu.vector_store_idx %arg8[%add3A_168], %gather3A_159 : memref<1024xf32, #tpu.memory_space<vmem>>[vector<16xi32>], vector<16xf32>,
    tpu.vector_store_idx %arg9[%get3A_151], %broadcast_in_dim3A_132 {add = true} : memref<1024xf32, #tpu.memory_space<vmem>>[vector<16xi32>], vector<16xf32>,
    %get3A_169 = arith.constant 32 : index
    %get3A_170 = tpu.vector_load %arg6[%get3A_169] {strides = array<i32>} : memref<512xi32, #tpu.memory_space<vmem>>, vector<16xi32>,
    %mul3A_171 = arith.constant 2 : i32
    %mul3A_172 = vector.broadcast %mul3A_171 : i32 to vector<16xi32>
    %mul3A_173 = arith.muli %get3A_170, %mul3A_172 : vector<16xi32>
    %gather3A_174 = tpu.vector_load_idx %arg7[%mul3A_173] : memref<2048xf32, #tpu.memory_space<vmem>>[vector<16xi32>], vector<16xf32>,
    %add3A_175 = arith.constant 1 : i32
    %add3A_176 = vector.broadcast %add3A_175 : i32 to vector<16xi32>
    %add3A_177 = arith.addi %mul3A_173, %add3A_176 : vector<16xi32>
    %gather3A_178 = tpu.vector_load_idx %arg7[%add3A_177] : memref<2048xf32, #tpu.memory_space<vmem>>[vector<16xi32>], vector<16xf32>,
    %add3A_179 = arith.constant 32 : i32
    %add3A_180 = vector.broadcast %add3A_179 : i32 to vector<16xi32>
    %add3A_181 = arith.addi %iota3A, %add3A_180 : vector<16xi32>
    %mul3A_182 = arith.constant 2 : i32
    %mul3A_183 = vector.broadcast %mul3A_182 : i32 to vector<16xi32>
    %mul3A_184 = arith.muli %add3A_181, %mul3A_183 : vector<16xi32>
    tpu.vector_store_idx %arg8[%mul3A_184], %gather3A_174 : memref<1024xf32, #tpu.memory_space<vmem>>[vector<16xi32>], vector<16xf32>,
    %add3A_185 = arith.constant 1 : i32
    %add3A_186 = vector.broadcast %add3A_185 : i32 to vector<16xi32>
    %add3A_187 = arith.addi %mul3A_184, %add3A_186 : vector<16xi32>
    tpu.vector_store_idx %arg8[%add3A_187], %gather3A_178 : memref<1024xf32, #tpu.memory_space<vmem>>[vector<16xi32>], vector<16xf32>,
    tpu.vector_store_idx %arg9[%get3A_170], %broadcast_in_dim3A_132 {add = true} : memref<1024xf32, #tpu.memory_space<vmem>>[vector<16xi32>], vector<16xf32>,
    %get3A_188 = arith.constant 48 : index
    %get3A_189 = tpu.vector_load %arg6[%get3A_188] {strides = array<i32>} : memref<512xi32, #tpu.memory_space<vmem>>, vector<16xi32>,
    %mul3A_190 = arith.constant 2 : i32
    %mul3A_191 = vector.broadcast %mul3A_190 : i32 to vector<16xi32>
    %mul3A_192 = arith.muli %get3A_189, %mul3A_191 : vector<16xi32>
    %gather3A_193 = tpu.vector_load_idx %arg7[%mul3A_192] : memref<2048xf32, #tpu.memory_space<vmem>>[vector<16xi32>], vector<16xf32>,
    %add3A_194 = arith.constant 1 : i32
    %add3A_195 = vector.broadcast %add3A_194 : i32 to vector<16xi32>
    %add3A_196 = arith.addi %mul3A_192, %add3A_195 : vector<16xi32>
    %gather3A_197 = tpu.vector_load_idx %arg7[%add3A_196] : memref<2048xf32, #tpu.memory_space<vmem>>[vector<16xi32>], vector<16xf32>,
    %add3A_198 = arith.constant 48 : i32
    %add3A_199 = vector.broadcast %add3A_198 : i32 to vector<16xi32>
    %add3A_200 = arith.addi %iota3A, %add3A_199 : vector<16xi32>
    %mul3A_201 = arith.constant 2 : i32
    %mul3A_202 = vector.broadcast %mul3A_201 : i32 to vector<16xi32>
    %mul3A_203 = arith.muli %add3A_200, %mul3A_202 : vector<16xi32>
    tpu.vector_store_idx %arg8[%mul3A_203], %gather3A_193 : memref<1024xf32, #tpu.memory_space<vmem>>[vector<16xi32>], vector<16xf32>,
    %add3A_204 = arith.constant 1 : i32
    %add3A_205 = vector.broadcast %add3A_204 : i32 to vector<16xi32>
    %add3A_206 = arith.addi %mul3A_203, %add3A_205 : vector<16xi32>
    tpu.vector_store_idx %arg8[%add3A_206], %gather3A_197 : memref<1024xf32, #tpu.memory_space<vmem>>[vector<16xi32>], vector<16xf32>,
    tpu.vector_store_idx %arg9[%get3A_189], %broadcast_in_dim3A_132 {add = true} : memref<1024xf32, #tpu.memory_space<vmem>>[vector<16xi32>], vector<16xf32>,
    %get3A_207 = arith.constant 64 : index
    %get3A_208 = tpu.vector_load %arg6[%get3A_207] {strides = array<i32>} : memref<512xi32, #tpu.memory_space<vmem>>, vector<16xi32>,
    %mul3A_209 = arith.constant 2 : i32
    %mul3A_210 = vector.broadcast %mul3A_209 : i32 to vector<16xi32>
    %mul3A_211 = arith.muli %get3A_208, %mul3A_210 : vector<16xi32>
    %gather3A_212 = tpu.vector_load_idx %arg7[%mul3A_211] : memref<2048xf32, #tpu.memory_space<vmem>>[vector<16xi32>], vector<16xf32>,
    %add3A_213 = arith.constant 1 : i32
    %add3A_214 = vector.broadcast %add3A_213 : i32 to vector<16xi32>
    %add3A_215 = arith.addi %mul3A_211, %add3A_214 : vector<16xi32>
    %gather3A_216 = tpu.vector_load_idx %arg7[%add3A_215] : memref<2048xf32, #tpu.memory_space<vmem>>[vector<16xi32>], vector<16xf32>,
    %add3A_217 = arith.constant 64 : i32
    %add3A_218 = vector.broadcast %add3A_217 : i32 to vector<16xi32>
    %add3A_219 = arith.addi %iota3A, %add3A_218 : vector<16xi32>
    %mul3A_220 = arith.constant 2 : i32
    %mul3A_221 = vector.broadcast %mul3A_220 : i32 to vector<16xi32>
    %mul3A_222 = arith.muli %add3A_219, %mul3A_221 : vector<16xi32>
    tpu.vector_store_idx %arg8[%mul3A_222], %gather3A_212 : memref<1024xf32, #tpu.memory_space<vmem>>[vector<16xi32>], vector<16xf32>,
    %add3A_223 = arith.constant 1 : i32
    %add3A_224 = vector.broadcast %add3A_223 : i32 to vector<16xi32>
    %add3A_225 = arith.addi %mul3A_222, %add3A_224 : vector<16xi32>
    tpu.vector_store_idx %arg8[%add3A_225], %gather3A_216 : memref<1024xf32, #tpu.memory_space<vmem>>[vector<16xi32>], vector<16xf32>,
    tpu.vector_store_idx %arg9[%get3A_208], %broadcast_in_dim3A_132 {add = true} : memref<1024xf32, #tpu.memory_space<vmem>>[vector<16xi32>], vector<16xf32>,
    %get3A_226 = arith.constant 80 : index
    %get3A_227 = tpu.vector_load %arg6[%get3A_226] {strides = array<i32>} : memref<512xi32, #tpu.memory_space<vmem>>, vector<16xi32>,
    %mul3A_228 = arith.constant 2 : i32
    %mul3A_229 = vector.broadcast %mul3A_228 : i32 to vector<16xi32>
    %mul3A_230 = arith.muli %get3A_227, %mul3A_229 : vector<16xi32>
    %gather3A_231 = tpu.vector_load_idx %arg7[%mul3A_230] : memref<2048xf32, #tpu.memory_space<vmem>>[vector<16xi32>], vector<16xf32>,
    %add3A_232 = arith.constant 1 : i32
    %add3A_233 = vector.broadcast %add3A_232 : i32 to vector<16xi32>
    %add3A_234 = arith.addi %mul3A_230, %add3A_233 : vector<16xi32>
    %gather3A_235 = tpu.vector_load_idx %arg7[%add3A_234] : memref<2048xf32, #tpu.memory_space<vmem>>[vector<16xi32>], vector<16xf32>,
    %add3A_236 = arith.constant 80 : i32
    %add3A_237 = vector.broadcast %add3A_236 : i32 to vector<16xi32>
    %add3A_238 = arith.addi %iota3A, %add3A_237 : vector<16xi32>
    %mul3A_239 = arith.constant 2 : i32
    %mul3A_240 = vector.broadcast %mul3A_239 : i32 to vector<16xi32>
    %mul3A_241 = arith.muli %add3A_238, %mul3A_240 : vector<16xi32>
    tpu.vector_store_idx %arg8[%mul3A_241], %gather3A_231 : memref<1024xf32, #tpu.memory_space<vmem>>[vector<16xi32>], vector<16xf32>,
    %add3A_242 = arith.constant 1 : i32
    %add3A_243 = vector.broadcast %add3A_242 : i32 to vector<16xi32>
    %add3A_244 = arith.addi %mul3A_241, %add3A_243 : vector<16xi32>
    tpu.vector_store_idx %arg8[%add3A_244], %gather3A_235 : memref<1024xf32, #tpu.memory_space<vmem>>[vector<16xi32>], vector<16xf32>,
    tpu.vector_store_idx %arg9[%get3A_227], %broadcast_in_dim3A_132 {add = true} : memref<1024xf32, #tpu.memory_space<vmem>>[vector<16xi32>], vector<16xf32>,
    %get3A_245 = arith.constant 96 : index
    %get3A_246 = tpu.vector_load %arg6[%get3A_245] {strides = array<i32>} : memref<512xi32, #tpu.memory_space<vmem>>, vector<16xi32>,
    %mul3A_247 = arith.constant 2 : i32
    %mul3A_248 = vector.broadcast %mul3A_247 : i32 to vector<16xi32>
    %mul3A_249 = arith.muli %get3A_246, %mul3A_248 : vector<16xi32>
    %gather3A_250 = tpu.vector_load_idx %arg7[%mul3A_249] : memref<2048xf32, #tpu.memory_space<vmem>>[vector<16xi32>], vector<16xf32>,
    %add3A_251 = arith.constant 1 : i32
    %add3A_252 = vector.broadcast %add3A_251 : i32 to vector<16xi32>
    %add3A_253 = arith.addi %mul3A_249, %add3A_252 : vector<16xi32>
    %gather3A_254 = tpu.vector_load_idx %arg7[%add3A_253] : memref<2048xf32, #tpu.memory_space<vmem>>[vector<16xi32>], vector<16xf32>,
    %add3A_255 = arith.constant 96 : i32
    %add3A_256 = vector.broadcast %add3A_255 : i32 to vector<16xi32>
    %add3A_257 = arith.addi %iota3A, %add3A_256 : vector<16xi32>
    %mul3A_258 = arith.constant 2 : i32
    %mul3A_259 = vector.broadcast %mul3A_258 : i32 to vector<16xi32>
    %mul3A_260 = arith.muli %add3A_257, %mul3A_259 : vector<16xi32>
    tpu.vector_store_idx %arg8[%mul3A_260], %gather3A_250 : memref<1024xf32, #tpu.memory_space<vmem>>[vector<16xi32>], vector<16xf32>,
    %add3A_261 = arith.constant 1 : i32
    %add3A_262 = vector.broadcast %add3A_261 : i32 to vector<16xi32>
    %add3A_263 = arith.addi %mul3A_260, %add3A_262 : vector<16xi32>
    tpu.vector_store_idx %arg8[%add3A_263], %gather3A_254 : memref<1024xf32, #tpu.memory_space<vmem>>[vector<16xi32>], vector<16xf32>,
    tpu.vector_store_idx %arg9[%get3A_246], %broadcast_in_dim3A_132 {add = true} : memref<1024xf32, #tpu.memory_space<vmem>>[vector<16xi32>], vector<16xf32>,
    %get3A_264 = arith.constant 112 : index
    %get3A_265 = tpu.vector_load %arg6[%get3A_264] {strides = array<i32>} : memref<512xi32, #tpu.memory_space<vmem>>, vector<16xi32>,
    %mul3A_266 = arith.constant 2 : i32
    %mul3A_267 = vector.broadcast %mul3A_266 : i32 to vector<16xi32>
    %mul3A_268 = arith.muli %get3A_265, %mul3A_267 : vector<16xi32>
    %gather3A_269 = tpu.vector_load_idx %arg7[%mul3A_268] : memref<2048xf32, #tpu.memory_space<vmem>>[vector<16xi32>], vector<16xf32>,
    %add3A_270 = arith.constant 1 : i32
    %add3A_271 = vector.broadcast %add3A_270 : i32 to vector<16xi32>
    %add3A_272 = arith.addi %mul3A_268, %add3A_271 : vector<16xi32>
    %gather3A_273 = tpu.vector_load_idx %arg7[%add3A_272] : memref<2048xf32, #tpu.memory_space<vmem>>[vector<16xi32>], vector<16xf32>,
    %add3A_274 = arith.constant 112 : i32
    %add3A_275 = vector.broadcast %add3A_274 : i32 to vector<16xi32>
    %add3A_276 = arith.addi %iota3A, %add3A_275 : vector<16xi32>
    %mul3A_277 = arith.constant 2 : i32
    %mul3A_278 = vector.broadcast %mul3A_277 : i32 to vector<16xi32>
    %mul3A_279 = arith.muli %add3A_276, %mul3A_278 : vector<16xi32>
    tpu.vector_store_idx %arg8[%mul3A_279], %gather3A_269 : memref<1024xf32, #tpu.memory_space<vmem>>[vector<16xi32>], vector<16xf32>,
    %add3A_280 = arith.constant 1 : i32
    %add3A_281 = vector.broadcast %add3A_280 : i32 to vector<16xi32>
    %add3A_282 = arith.addi %mul3A_279, %add3A_281 : vector<16xi32>
    tpu.vector_store_idx %arg8[%add3A_282], %gather3A_273 : memref<1024xf32, #tpu.memory_space<vmem>>[vector<16xi32>], vector<16xf32>,
    tpu.vector_store_idx %arg9[%get3A_265], %broadcast_in_dim3A_132 {add = true} : memref<1024xf32, #tpu.memory_space<vmem>>[vector<16xi32>], vector<16xf32>,
    %get3A_283 = arith.constant 128 : index
    %get3A_284 = tpu.vector_load %arg6[%get3A_283] {strides = array<i32>} : memref<512xi32, #tpu.memory_space<vmem>>, vector<16xi32>,
    %mul3A_285 = arith.constant 2 : i32
    %mul3A_286 = vector.broadcast %mul3A_285 : i32 to vector<16xi32>
    %mul3A_287 = arith.muli %get3A_284, %mul3A_286 : vector<16xi32>
    %gather3A_288 = tpu.vector_load_idx %arg7[%mul3A_287] : memref<2048xf32, #tpu.memory_space<vmem>>[vector<16xi32>], vector<16xf32>,
    %add3A_289 = arith.constant 1 : i32
    %add3A_290 = vector.broadcast %add3A_289 : i32 to vector<16xi32>
    %add3A_291 = arith.addi %mul3A_287, %add3A_290 : vector<16xi32>
    %gather3A_292 = tpu.vector_load_idx %arg7[%add3A_291] : memref<2048xf32, #tpu.memory_space<vmem>>[vector<16xi32>], vector<16xf32>,
    %add3A_293 = arith.constant 128 : i32
    %add3A_294 = vector.broadcast %add3A_293 : i32 to vector<16xi32>
    %add3A_295 = arith.addi %iota3A, %add3A_294 : vector<16xi32>
    %mul3A_296 = arith.constant 2 : i32
    %mul3A_297 = vector.broadcast %mul3A_296 : i32 to vector<16xi32>
    %mul3A_298 = arith.muli %add3A_295, %mul3A_297 : vector<16xi32>
    tpu.vector_store_idx %arg8[%mul3A_298], %gather3A_288 : memref<1024xf32, #tpu.memory_space<vmem>>[vector<16xi32>], vector<16xf32>,
    %add3A_299 = arith.constant 1 : i32
    %add3A_300 = vector.broadcast %add3A_299 : i32 to vector<16xi32>
    %add3A_301 = arith.addi %mul3A_298, %add3A_300 : vector<16xi32>
    tpu.vector_store_idx %arg8[%add3A_301], %gather3A_292 : memref<1024xf32, #tpu.memory_space<vmem>>[vector<16xi32>], vector<16xf32>,
    tpu.vector_store_idx %arg9[%get3A_284], %broadcast_in_dim3A_132 {add = true} : memref<1024xf32, #tpu.memory_space<vmem>>[vector<16xi32>], vector<16xf32>,
    %get3A_302 = arith.constant 144 : index
    %get3A_303 = tpu.vector_load %arg6[%get3A_302] {strides = array<i32>} : memref<512xi32, #tpu.memory_space<vmem>>, vector<16xi32>,
    %mul3A_304 = arith.constant 2 : i32
    %mul3A_305 = vector.broadcast %mul3A_304 : i32 to vector<16xi32>
    %mul3A_306 = arith.muli %get3A_303, %mul3A_305 : vector<16xi32>
    %gather3A_307 = tpu.vector_load_idx %arg7[%mul3A_306] : memref<2048xf32, #tpu.memory_space<vmem>>[vector<16xi32>], vector<16xf32>,
    %add3A_308 = arith.constant 1 : i32
    %add3A_309 = vector.broadcast %add3A_308 : i32 to vector<16xi32>
    %add3A_310 = arith.addi %mul3A_306, %add3A_309 : vector<16xi32>
    %gather3A_311 = tpu.vector_load_idx %arg7[%add3A_310] : memref<2048xf32, #tpu.memory_space<vmem>>[vector<16xi32>], vector<16xf32>,
    %add3A_312 = arith.constant 144 : i32
    %add3A_313 = vector.broadcast %add3A_312 : i32 to vector<16xi32>
    %add3A_314 = arith.addi %iota3A, %add3A_313 : vector<16xi32>
    %mul3A_315 = arith.constant 2 : i32
    %mul3A_316 = vector.broadcast %mul3A_315 : i32 to vector<16xi32>
    %mul3A_317 = arith.muli %add3A_314, %mul3A_316 : vector<16xi32>
    tpu.vector_store_idx %arg8[%mul3A_317], %gather3A_307 : memref<1024xf32, #tpu.memory_space<vmem>>[vector<16xi32>], vector<16xf32>,
    %add3A_318 = arith.constant 1 : i32
    %add3A_319 = vector.broadcast %add3A_318 : i32 to vector<16xi32>
    %add3A_320 = arith.addi %mul3A_317, %add3A_319 : vector<16xi32>
    tpu.vector_store_idx %arg8[%add3A_320], %gather3A_311 : memref<1024xf32, #tpu.memory_space<vmem>>[vector<16xi32>], vector<16xf32>,
    tpu.vector_store_idx %arg9[%get3A_303], %broadcast_in_dim3A_132 {add = true} : memref<1024xf32, #tpu.memory_space<vmem>>[vector<16xi32>], vector<16xf32>,
    %get3A_321 = arith.constant 160 : index
    %get3A_322 = tpu.vector_load %arg6[%get3A_321] {strides = array<i32>} : memref<512xi32, #tpu.memory_space<vmem>>, vector<16xi32>,
    %mul3A_323 = arith.constant 2 : i32
    %mul3A_324 = vector.broadcast %mul3A_323 : i32 to vector<16xi32>
    %mul3A_325 = arith.muli %get3A_322, %mul3A_324 : vector<16xi32>
    %gather3A_326 = tpu.vector_load_idx %arg7[%mul3A_325] : memref<2048xf32, #tpu.memory_space<vmem>>[vector<16xi32>], vector<16xf32>,
    %add3A_327 = arith.constant 1 : i32
    %add3A_328 = vector.broadcast %add3A_327 : i32 to vector<16xi32>
    %add3A_329 = arith.addi %mul3A_325, %add3A_328 : vector<16xi32>
    %gather3A_330 = tpu.vector_load_idx %arg7[%add3A_329] : memref<2048xf32, #tpu.memory_space<vmem>>[vector<16xi32>], vector<16xf32>,
    %add3A_331 = arith.constant 160 : i32
    %add3A_332 = vector.broadcast %add3A_331 : i32 to vector<16xi32>
    %add3A_333 = arith.addi %iota3A, %add3A_332 : vector<16xi32>
    %mul3A_334 = arith.constant 2 : i32
    %mul3A_335 = vector.broadcast %mul3A_334 : i32 to vector<16xi32>
    %mul3A_336 = arith.muli %add3A_333, %mul3A_335 : vector<16xi32>
    tpu.vector_store_idx %arg8[%mul3A_336], %gather3A_326 : memref<1024xf32, #tpu.memory_space<vmem>>[vector<16xi32>], vector<16xf32>,
    %add3A_337 = arith.constant 1 : i32
    %add3A_338 = vector.broadcast %add3A_337 : i32 to vector<16xi32>
    %add3A_339 = arith.addi %mul3A_336, %add3A_338 : vector<16xi32>
    tpu.vector_store_idx %arg8[%add3A_339], %gather3A_330 : memref<1024xf32, #tpu.memory_space<vmem>>[vector<16xi32>], vector<16xf32>,
    tpu.vector_store_idx %arg9[%get3A_322], %broadcast_in_dim3A_132 {add = true} : memref<1024xf32, #tpu.memory_space<vmem>>[vector<16xi32>], vector<16xf32>,
    %get3A_340 = arith.constant 176 : index
    %get3A_341 = tpu.vector_load %arg6[%get3A_340] {strides = array<i32>} : memref<512xi32, #tpu.memory_space<vmem>>, vector<16xi32>,
    %mul3A_342 = arith.constant 2 : i32
    %mul3A_343 = vector.broadcast %mul3A_342 : i32 to vector<16xi32>
    %mul3A_344 = arith.muli %get3A_341, %mul3A_343 : vector<16xi32>
    %gather3A_345 = tpu.vector_load_idx %arg7[%mul3A_344] : memref<2048xf32, #tpu.memory_space<vmem>>[vector<16xi32>], vector<16xf32>,
    %add3A_346 = arith.constant 1 : i32
    %add3A_347 = vector.broadcast %add3A_346 : i32 to vector<16xi32>
    %add3A_348 = arith.addi %mul3A_344, %add3A_347 : vector<16xi32>
    %gather3A_349 = tpu.vector_load_idx %arg7[%add3A_348] : memref<2048xf32, #tpu.memory_space<vmem>>[vector<16xi32>], vector<16xf32>,
    %add3A_350 = arith.constant 176 : i32
    %add3A_351 = vector.broadcast %add3A_350 : i32 to vector<16xi32>
    %add3A_352 = arith.addi %iota3A, %add3A_351 : vector<16xi32>
    %mul3A_353 = arith.constant 2 : i32
    %mul3A_354 = vector.broadcast %mul3A_353 : i32 to vector<16xi32>
    %mul3A_355 = arith.muli %add3A_352, %mul3A_354 : vector<16xi32>
    tpu.vector_store_idx %arg8[%mul3A_355], %gather3A_345 : memref<1024xf32, #tpu.memory_space<vmem>>[vector<16xi32>], vector<16xf32>,
    %add3A_356 = arith.constant 1 : i32
    %add3A_357 = vector.broadcast %add3A_356 : i32 to vector<16xi32>
    %add3A_358 = arith.addi %mul3A_355, %add3A_357 : vector<16xi32>
    tpu.vector_store_idx %arg8[%add3A_358], %gather3A_349 : memref<1024xf32, #tpu.memory_space<vmem>>[vector<16xi32>], vector<16xf32>,
    tpu.vector_store_idx %arg9[%get3A_341], %broadcast_in_dim3A_132 {add = true} : memref<1024xf32, #tpu.memory_space<vmem>>[vector<16xi32>], vector<16xf32>,
    %get3A_359 = arith.constant 192 : index
    %get3A_360 = tpu.vector_load %arg6[%get3A_359] {strides = array<i32>} : memref<512xi32, #tpu.memory_space<vmem>>, vector<16xi32>,
    %mul3A_361 = arith.constant 2 : i32
    %mul3A_362 = vector.broadcast %mul3A_361 : i32 to vector<16xi32>
    %mul3A_363 = arith.muli %get3A_360, %mul3A_362 : vector<16xi32>
    %gather3A_364 = tpu.vector_load_idx %arg7[%mul3A_363] : memref<2048xf32, #tpu.memory_space<vmem>>[vector<16xi32>], vector<16xf32>,
    %add3A_365 = arith.constant 1 : i32
    %add3A_366 = vector.broadcast %add3A_365 : i32 to vector<16xi32>
    %add3A_367 = arith.addi %mul3A_363, %add3A_366 : vector<16xi32>
    %gather3A_368 = tpu.vector_load_idx %arg7[%add3A_367] : memref<2048xf32, #tpu.memory_space<vmem>>[vector<16xi32>], vector<16xf32>,
    %add3A_369 = arith.constant 192 : i32
    %add3A_370 = vector.broadcast %add3A_369 : i32 to vector<16xi32>
    %add3A_371 = arith.addi %iota3A, %add3A_370 : vector<16xi32>
    %mul3A_372 = arith.constant 2 : i32
    %mul3A_373 = vector.broadcast %mul3A_372 : i32 to vector<16xi32>
    %mul3A_374 = arith.muli %add3A_371, %mul3A_373 : vector<16xi32>
    tpu.vector_store_idx %arg8[%mul3A_374], %gather3A_364 : memref<1024xf32, #tpu.memory_space<vmem>>[vector<16xi32>], vector<16xf32>,
    %add3A_375 = arith.constant 1 : i32
    %add3A_376 = vector.broadcast %add3A_375 : i32 to vector<16xi32>
    %add3A_377 = arith.addi %mul3A_374, %add3A_376 : vector<16xi32>
    tpu.vector_store_idx %arg8[%add3A_377], %gather3A_368 : memref<1024xf32, #tpu.memory_space<vmem>>[vector<16xi32>], vector<16xf32>,
    tpu.vector_store_idx %arg9[%get3A_360], %broadcast_in_dim3A_132 {add = true} : memref<1024xf32, #tpu.memory_space<vmem>>[vector<16xi32>], vector<16xf32>,
    %get3A_378 = arith.constant 208 : index
    %get3A_379 = tpu.vector_load %arg6[%get3A_378] {strides = array<i32>} : memref<512xi32, #tpu.memory_space<vmem>>, vector<16xi32>,
    %mul3A_380 = arith.constant 2 : i32
    %mul3A_381 = vector.broadcast %mul3A_380 : i32 to vector<16xi32>
    %mul3A_382 = arith.muli %get3A_379, %mul3A_381 : vector<16xi32>
    %gather3A_383 = tpu.vector_load_idx %arg7[%mul3A_382] : memref<2048xf32, #tpu.memory_space<vmem>>[vector<16xi32>], vector<16xf32>,
    %add3A_384 = arith.constant 1 : i32
    %add3A_385 = vector.broadcast %add3A_384 : i32 to vector<16xi32>
    %add3A_386 = arith.addi %mul3A_382, %add3A_385 : vector<16xi32>
    %gather3A_387 = tpu.vector_load_idx %arg7[%add3A_386] : memref<2048xf32, #tpu.memory_space<vmem>>[vector<16xi32>], vector<16xf32>,
    %add3A_388 = arith.constant 208 : i32
    %add3A_389 = vector.broadcast %add3A_388 : i32 to vector<16xi32>
    %add3A_390 = arith.addi %iota3A, %add3A_389 : vector<16xi32>
    %mul3A_391 = arith.constant 2 : i32
    %mul3A_392 = vector.broadcast %mul3A_391 : i32 to vector<16xi32>
    %mul3A_393 = arith.muli %add3A_390, %mul3A_392 : vector<16xi32>
    tpu.vector_store_idx %arg8[%mul3A_393], %gather3A_383 : memref<1024xf32, #tpu.memory_space<vmem>>[vector<16xi32>], vector<16xf32>,
    %add3A_394 = arith.constant 1 : i32
    %add3A_395 = vector.broadcast %add3A_394 : i32 to vector<16xi32>
    %add3A_396 = arith.addi %mul3A_393, %add3A_395 : vector<16xi32>
    tpu.vector_store_idx %arg8[%add3A_396], %gather3A_387 : memref<1024xf32, #tpu.memory_space<vmem>>[vector<16xi32>], vector<16xf32>,
    tpu.vector_store_idx %arg9[%get3A_379], %broadcast_in_dim3A_132 {add = true} : memref<1024xf32, #tpu.memory_space<vmem>>[vector<16xi32>], vector<16xf32>,
    %get3A_397 = arith.constant 224 : index
    %get3A_398 = tpu.vector_load %arg6[%get3A_397] {strides = array<i32>} : memref<512xi32, #tpu.memory_space<vmem>>, vector<16xi32>,
    %mul3A_399 = arith.constant 2 : i32
    %mul3A_400 = vector.broadcast %mul3A_399 : i32 to vector<16xi32>
    %mul3A_401 = arith.muli %get3A_398, %mul3A_400 : vector<16xi32>
    %gather3A_402 = tpu.vector_load_idx %arg7[%mul3A_401] : memref<2048xf32, #tpu.memory_space<vmem>>[vector<16xi32>], vector<16xf32>,
    %add3A_403 = arith.constant 1 : i32
    %add3A_404 = vector.broadcast %add3A_403 : i32 to vector<16xi32>
    %add3A_405 = arith.addi %mul3A_401, %add3A_404 : vector<16xi32>
    %gather3A_406 = tpu.vector_load_idx %arg7[%add3A_405] : memref<2048xf32, #tpu.memory_space<vmem>>[vector<16xi32>], vector<16xf32>,
    %add3A_407 = arith.constant 224 : i32
    %add3A_408 = vector.broadcast %add3A_407 : i32 to vector<16xi32>
    %add3A_409 = arith.addi %iota3A, %add3A_408 : vector<16xi32>
    %mul3A_410 = arith.constant 2 : i32
    %mul3A_411 = vector.broadcast %mul3A_410 : i32 to vector<16xi32>
    %mul3A_412 = arith.muli %add3A_409, %mul3A_411 : vector<16xi32>
    tpu.vector_store_idx %arg8[%mul3A_412], %gather3A_402 : memref<1024xf32, #tpu.memory_space<vmem>>[vector<16xi32>], vector<16xf32>,
    %add3A_413 = arith.constant 1 : i32
    %add3A_414 = vector.broadcast %add3A_413 : i32 to vector<16xi32>
    %add3A_415 = arith.addi %mul3A_412, %add3A_414 : vector<16xi32>
    tpu.vector_store_idx %arg8[%add3A_415], %gather3A_406 : memref<1024xf32, #tpu.memory_space<vmem>>[vector<16xi32>], vector<16xf32>,
    tpu.vector_store_idx %arg9[%get3A_398], %broadcast_in_dim3A_132 {add = true} : memref<1024xf32, #tpu.memory_space<vmem>>[vector<16xi32>], vector<16xf32>,
    %get3A_416 = arith.constant 240 : index
    %get3A_417 = tpu.vector_load %arg6[%get3A_416] {strides = array<i32>} : memref<512xi32, #tpu.memory_space<vmem>>, vector<16xi32>,
    %mul3A_418 = arith.constant 2 : i32
    %mul3A_419 = vector.broadcast %mul3A_418 : i32 to vector<16xi32>
    %mul3A_420 = arith.muli %get3A_417, %mul3A_419 : vector<16xi32>
    %gather3A_421 = tpu.vector_load_idx %arg7[%mul3A_420] : memref<2048xf32, #tpu.memory_space<vmem>>[vector<16xi32>], vector<16xf32>,
    %add3A_422 = arith.constant 1 : i32
    %add3A_423 = vector.broadcast %add3A_422 : i32 to vector<16xi32>
    %add3A_424 = arith.addi %mul3A_420, %add3A_423 : vector<16xi32>
    %gather3A_425 = tpu.vector_load_idx %arg7[%add3A_424] : memref<2048xf32, #tpu.memory_space<vmem>>[vector<16xi32>], vector<16xf32>,
    %add3A_426 = arith.constant 240 : i32
    %add3A_427 = vector.broadcast %add3A_426 : i32 to vector<16xi32>
    %add3A_428 = arith.addi %iota3A, %add3A_427 : vector<16xi32>
    %mul3A_429 = arith.constant 2 : i32
    %mul3A_430 = vector.broadcast %mul3A_429 : i32 to vector<16xi32>
    %mul3A_431 = arith.muli %add3A_428, %mul3A_430 : vector<16xi32>
    tpu.vector_store_idx %arg8[%mul3A_431], %gather3A_421 : memref<1024xf32, #tpu.memory_space<vmem>>[vector<16xi32>], vector<16xf32>,
    %add3A_432 = arith.constant 1 : i32
    %add3A_433 = vector.broadcast %add3A_432 : i32 to vector<16xi32>
    %add3A_434 = arith.addi %mul3A_431, %add3A_433 : vector<16xi32>
    tpu.vector_store_idx %arg8[%add3A_434], %gather3A_425 : memref<1024xf32, #tpu.memory_space<vmem>>[vector<16xi32>], vector<16xf32>,
    tpu.vector_store_idx %arg9[%get3A_417], %broadcast_in_dim3A_132 {add = true} : memref<1024xf32, #tpu.memory_space<vmem>>[vector<16xi32>], vector<16xf32>,
    %get3A_435 = arith.constant 256 : index
    %get3A_436 = tpu.vector_load %arg6[%get3A_435] {strides = array<i32>} : memref<512xi32, #tpu.memory_space<vmem>>, vector<16xi32>,
    %mul3A_437 = arith.constant 2 : i32
    %mul3A_438 = vector.broadcast %mul3A_437 : i32 to vector<16xi32>
    %mul3A_439 = arith.muli %get3A_436, %mul3A_438 : vector<16xi32>
    %gather3A_440 = tpu.vector_load_idx %arg7[%mul3A_439] : memref<2048xf32, #tpu.memory_space<vmem>>[vector<16xi32>], vector<16xf32>,
    %add3A_441 = arith.constant 1 : i32
    %add3A_442 = vector.broadcast %add3A_441 : i32 to vector<16xi32>
    %add3A_443 = arith.addi %mul3A_439, %add3A_442 : vector<16xi32>
    %gather3A_444 = tpu.vector_load_idx %arg7[%add3A_443] : memref<2048xf32, #tpu.memory_space<vmem>>[vector<16xi32>], vector<16xf32>,
    %add3A_445 = arith.constant 256 : i32
    %add3A_446 = vector.broadcast %add3A_445 : i32 to vector<16xi32>
    %add3A_447 = arith.addi %iota3A, %add3A_446 : vector<16xi32>
    %mul3A_448 = arith.constant 2 : i32
    %mul3A_449 = vector.broadcast %mul3A_448 : i32 to vector<16xi32>
    %mul3A_450 = arith.muli %add3A_447, %mul3A_449 : vector<16xi32>
    tpu.vector_store_idx %arg8[%mul3A_450], %gather3A_440 : memref<1024xf32, #tpu.memory_space<vmem>>[vector<16xi32>], vector<16xf32>,
    %add3A_451 = arith.constant 1 : i32
    %add3A_452 = vector.broadcast %add3A_451 : i32 to vector<16xi32>
    %add3A_453 = arith.addi %mul3A_450, %add3A_452 : vector<16xi32>
    tpu.vector_store_idx %arg8[%add3A_453], %gather3A_444 : memref<1024xf32, #tpu.memory_space<vmem>>[vector<16xi32>], vector<16xf32>,
    tpu.vector_store_idx %arg9[%get3A_436], %broadcast_in_dim3A_132 {add = true} : memref<1024xf32, #tpu.memory_space<vmem>>[vector<16xi32>], vector<16xf32>,
    %get3A_454 = arith.constant 272 : index
    %get3A_455 = tpu.vector_load %arg6[%get3A_454] {strides = array<i32>} : memref<512xi32, #tpu.memory_space<vmem>>, vector<16xi32>,
    %mul3A_456 = arith.constant 2 : i32
    %mul3A_457 = vector.broadcast %mul3A_456 : i32 to vector<16xi32>
    %mul3A_458 = arith.muli %get3A_455, %mul3A_457 : vector<16xi32>
    %gather3A_459 = tpu.vector_load_idx %arg7[%mul3A_458] : memref<2048xf32, #tpu.memory_space<vmem>>[vector<16xi32>], vector<16xf32>,
    %add3A_460 = arith.constant 1 : i32
    %add3A_461 = vector.broadcast %add3A_460 : i32 to vector<16xi32>
    %add3A_462 = arith.addi %mul3A_458, %add3A_461 : vector<16xi32>
    %gather3A_463 = tpu.vector_load_idx %arg7[%add3A_462] : memref<2048xf32, #tpu.memory_space<vmem>>[vector<16xi32>], vector<16xf32>,
    %add3A_464 = arith.constant 272 : i32
    %add3A_465 = vector.broadcast %add3A_464 : i32 to vector<16xi32>
    %add3A_466 = arith.addi %iota3A, %add3A_465 : vector<16xi32>
    %mul3A_467 = arith.constant 2 : i32
    %mul3A_468 = vector.broadcast %mul3A_467 : i32 to vector<16xi32>
    %mul3A_469 = arith.muli %add3A_466, %mul3A_468 : vector<16xi32>
    tpu.vector_store_idx %arg8[%mul3A_469], %gather3A_459 : memref<1024xf32, #tpu.memory_space<vmem>>[vector<16xi32>], vector<16xf32>,
    %add3A_470 = arith.constant 1 : i32
    %add3A_471 = vector.broadcast %add3A_470 : i32 to vector<16xi32>
    %add3A_472 = arith.addi %mul3A_469, %add3A_471 : vector<16xi32>
    tpu.vector_store_idx %arg8[%add3A_472], %gather3A_463 : memref<1024xf32, #tpu.memory_space<vmem>>[vector<16xi32>], vector<16xf32>,
    tpu.vector_store_idx %arg9[%get3A_455], %broadcast_in_dim3A_132 {add = true} : memref<1024xf32, #tpu.memory_space<vmem>>[vector<16xi32>], vector<16xf32>,
    %get3A_473 = arith.constant 288 : index
    %get3A_474 = tpu.vector_load %arg6[%get3A_473] {strides = array<i32>} : memref<512xi32, #tpu.memory_space<vmem>>, vector<16xi32>,
    %mul3A_475 = arith.constant 2 : i32
    %mul3A_476 = vector.broadcast %mul3A_475 : i32 to vector<16xi32>
    %mul3A_477 = arith.muli %get3A_474, %mul3A_476 : vector<16xi32>
    %gather3A_478 = tpu.vector_load_idx %arg7[%mul3A_477] : memref<2048xf32, #tpu.memory_space<vmem>>[vector<16xi32>], vector<16xf32>,
    %add3A_479 = arith.constant 1 : i32
    %add3A_480 = vector.broadcast %add3A_479 : i32 to vector<16xi32>
    %add3A_481 = arith.addi %mul3A_477, %add3A_480 : vector<16xi32>
    %gather3A_482 = tpu.vector_load_idx %arg7[%add3A_481] : memref<2048xf32, #tpu.memory_space<vmem>>[vector<16xi32>], vector<16xf32>,
    %add3A_483 = arith.constant 288 : i32
    %add3A_484 = vector.broadcast %add3A_483 : i32 to vector<16xi32>
    %add3A_485 = arith.addi %iota3A, %add3A_484 : vector<16xi32>
    %mul3A_486 = arith.constant 2 : i32
    %mul3A_487 = vector.broadcast %mul3A_486 : i32 to vector<16xi32>
    %mul3A_488 = arith.muli %add3A_485, %mul3A_487 : vector<16xi32>
    tpu.vector_store_idx %arg8[%mul3A_488], %gather3A_478 : memref<1024xf32, #tpu.memory_space<vmem>>[vector<16xi32>], vector<16xf32>,
    %add3A_489 = arith.constant 1 : i32
    %add3A_490 = vector.broadcast %add3A_489 : i32 to vector<16xi32>
    %add3A_491 = arith.addi %mul3A_488, %add3A_490 : vector<16xi32>
    tpu.vector_store_idx %arg8[%add3A_491], %gather3A_482 : memref<1024xf32, #tpu.memory_space<vmem>>[vector<16xi32>], vector<16xf32>,
    tpu.vector_store_idx %arg9[%get3A_474], %broadcast_in_dim3A_132 {add = true} : memref<1024xf32, #tpu.memory_space<vmem>>[vector<16xi32>], vector<16xf32>,
    %get3A_492 = arith.constant 304 : index
    %get3A_493 = tpu.vector_load %arg6[%get3A_492] {strides = array<i32>} : memref<512xi32, #tpu.memory_space<vmem>>, vector<16xi32>,
    %mul3A_494 = arith.constant 2 : i32
    %mul3A_495 = vector.broadcast %mul3A_494 : i32 to vector<16xi32>
    %mul3A_496 = arith.muli %get3A_493, %mul3A_495 : vector<16xi32>
    %gather3A_497 = tpu.vector_load_idx %arg7[%mul3A_496] : memref<2048xf32, #tpu.memory_space<vmem>>[vector<16xi32>], vector<16xf32>,
    %add3A_498 = arith.constant 1 : i32
    %add3A_499 = vector.broadcast %add3A_498 : i32 to vector<16xi32>
    %add3A_500 = arith.addi %mul3A_496, %add3A_499 : vector<16xi32>
    %gather3A_501 = tpu.vector_load_idx %arg7[%add3A_500] : memref<2048xf32, #tpu.memory_space<vmem>>[vector<16xi32>], vector<16xf32>,
    %add3A_502 = arith.constant 304 : i32
    %add3A_503 = vector.broadcast %add3A_502 : i32 to vector<16xi32>
    %add3A_504 = arith.addi %iota3A, %add3A_503 : vector<16xi32>
    %mul3A_505 = arith.constant 2 : i32
    %mul3A_506 = vector.broadcast %mul3A_505 : i32 to vector<16xi32>
    %mul3A_507 = arith.muli %add3A_504, %mul3A_506 : vector<16xi32>
    tpu.vector_store_idx %arg8[%mul3A_507], %gather3A_497 : memref<1024xf32, #tpu.memory_space<vmem>>[vector<16xi32>], vector<16xf32>,
    %add3A_508 = arith.constant 1 : i32
    %add3A_509 = vector.broadcast %add3A_508 : i32 to vector<16xi32>
    %add3A_510 = arith.addi %mul3A_507, %add3A_509 : vector<16xi32>
    tpu.vector_store_idx %arg8[%add3A_510], %gather3A_501 : memref<1024xf32, #tpu.memory_space<vmem>>[vector<16xi32>], vector<16xf32>,
    tpu.vector_store_idx %arg9[%get3A_493], %broadcast_in_dim3A_132 {add = true} : memref<1024xf32, #tpu.memory_space<vmem>>[vector<16xi32>], vector<16xf32>,
    %get3A_511 = arith.constant 320 : index
    %get3A_512 = tpu.vector_load %arg6[%get3A_511] {strides = array<i32>} : memref<512xi32, #tpu.memory_space<vmem>>, vector<16xi32>,
    %mul3A_513 = arith.constant 2 : i32
    %mul3A_514 = vector.broadcast %mul3A_513 : i32 to vector<16xi32>
    %mul3A_515 = arith.muli %get3A_512, %mul3A_514 : vector<16xi32>
    %gather3A_516 = tpu.vector_load_idx %arg7[%mul3A_515] : memref<2048xf32, #tpu.memory_space<vmem>>[vector<16xi32>], vector<16xf32>,
    %add3A_517 = arith.constant 1 : i32
    %add3A_518 = vector.broadcast %add3A_517 : i32 to vector<16xi32>
    %add3A_519 = arith.addi %mul3A_515, %add3A_518 : vector<16xi32>
    %gather3A_520 = tpu.vector_load_idx %arg7[%add3A_519] : memref<2048xf32, #tpu.memory_space<vmem>>[vector<16xi32>], vector<16xf32>,
    %add3A_521 = arith.constant 320 : i32
    %add3A_522 = vector.broadcast %add3A_521 : i32 to vector<16xi32>
    %add3A_523 = arith.addi %iota3A, %add3A_522 : vector<16xi32>
    %mul3A_524 = arith.constant 2 : i32
    %mul3A_525 = vector.broadcast %mul3A_524 : i32 to vector<16xi32>
    %mul3A_526 = arith.muli %add3A_523, %mul3A_525 : vector<16xi32>
    tpu.vector_store_idx %arg8[%mul3A_526], %gather3A_516 : memref<1024xf32, #tpu.memory_space<vmem>>[vector<16xi32>], vector<16xf32>,
    %add3A_527 = arith.constant 1 : i32
    %add3A_528 = vector.broadcast %add3A_527 : i32 to vector<16xi32>
    %add3A_529 = arith.addi %mul3A_526, %add3A_528 : vector<16xi32>
    tpu.vector_store_idx %arg8[%add3A_529], %gather3A_520 : memref<1024xf32, #tpu.memory_space<vmem>>[vector<16xi32>], vector<16xf32>,
    tpu.vector_store_idx %arg9[%get3A_512], %broadcast_in_dim3A_132 {add = true} : memref<1024xf32, #tpu.memory_space<vmem>>[vector<16xi32>], vector<16xf32>,
    %get3A_530 = arith.constant 336 : index
    %get3A_531 = tpu.vector_load %arg6[%get3A_530] {strides = array<i32>} : memref<512xi32, #tpu.memory_space<vmem>>, vector<16xi32>,
    %mul3A_532 = arith.constant 2 : i32
    %mul3A_533 = vector.broadcast %mul3A_532 : i32 to vector<16xi32>
    %mul3A_534 = arith.muli %get3A_531, %mul3A_533 : vector<16xi32>
    %gather3A_535 = tpu.vector_load_idx %arg7[%mul3A_534] : memref<2048xf32, #tpu.memory_space<vmem>>[vector<16xi32>], vector<16xf32>,
    %add3A_536 = arith.constant 1 : i32
    %add3A_537 = vector.broadcast %add3A_536 : i32 to vector<16xi32>
    %add3A_538 = arith.addi %mul3A_534, %add3A_537 : vector<16xi32>
    %gather3A_539 = tpu.vector_load_idx %arg7[%add3A_538] : memref<2048xf32, #tpu.memory_space<vmem>>[vector<16xi32>], vector<16xf32>,
    %add3A_540 = arith.constant 336 : i32
    %add3A_541 = vector.broadcast %add3A_540 : i32 to vector<16xi32>
    %add3A_542 = arith.addi %iota3A, %add3A_541 : vector<16xi32>
    %mul3A_543 = arith.constant 2 : i32
    %mul3A_544 = vector.broadcast %mul3A_543 : i32 to vector<16xi32>
    %mul3A_545 = arith.muli %add3A_542, %mul3A_544 : vector<16xi32>
    tpu.vector_store_idx %arg8[%mul3A_545], %gather3A_535 : memref<1024xf32, #tpu.memory_space<vmem>>[vector<16xi32>], vector<16xf32>,
    %add3A_546 = arith.constant 1 : i32
    %add3A_547 = vector.broadcast %add3A_546 : i32 to vector<16xi32>
    %add3A_548 = arith.addi %mul3A_545, %add3A_547 : vector<16xi32>
    tpu.vector_store_idx %arg8[%add3A_548], %gather3A_539 : memref<1024xf32, #tpu.memory_space<vmem>>[vector<16xi32>], vector<16xf32>,
    tpu.vector_store_idx %arg9[%get3A_531], %broadcast_in_dim3A_132 {add = true} : memref<1024xf32, #tpu.memory_space<vmem>>[vector<16xi32>], vector<16xf32>,
    %get3A_549 = arith.constant 352 : index
    %get3A_550 = tpu.vector_load %arg6[%get3A_549] {strides = array<i32>} : memref<512xi32, #tpu.memory_space<vmem>>, vector<16xi32>,
    %mul3A_551 = arith.constant 2 : i32
    %mul3A_552 = vector.broadcast %mul3A_551 : i32 to vector<16xi32>
    %mul3A_553 = arith.muli %get3A_550, %mul3A_552 : vector<16xi32>
    %gather3A_554 = tpu.vector_load_idx %arg7[%mul3A_553] : memref<2048xf32, #tpu.memory_space<vmem>>[vector<16xi32>], vector<16xf32>,
    %add3A_555 = arith.constant 1 : i32
    %add3A_556 = vector.broadcast %add3A_555 : i32 to vector<16xi32>
    %add3A_557 = arith.addi %mul3A_553, %add3A_556 : vector<16xi32>
    %gather3A_558 = tpu.vector_load_idx %arg7[%add3A_557] : memref<2048xf32, #tpu.memory_space<vmem>>[vector<16xi32>], vector<16xf32>,
    %add3A_559 = arith.constant 352 : i32
    %add3A_560 = vector.broadcast %add3A_559 : i32 to vector<16xi32>
    %add3A_561 = arith.addi %iota3A, %add3A_560 : vector<16xi32>
    %mul3A_562 = arith.constant 2 : i32
    %mul3A_563 = vector.broadcast %mul3A_562 : i32 to vector<16xi32>
    %mul3A_564 = arith.muli %add3A_561, %mul3A_563 : vector<16xi32>
    tpu.vector_store_idx %arg8[%mul3A_564], %gather3A_554 : memref<1024xf32, #tpu.memory_space<vmem>>[vector<16xi32>], vector<16xf32>,
    %add3A_565 = arith.constant 1 : i32
    %add3A_566 = vector.broadcast %add3A_565 : i32 to vector<16xi32>
    %add3A_567 = arith.addi %mul3A_564, %add3A_566 : vector<16xi32>
    tpu.vector_store_idx %arg8[%add3A_567], %gather3A_558 : memref<1024xf32, #tpu.memory_space<vmem>>[vector<16xi32>], vector<16xf32>,
    tpu.vector_store_idx %arg9[%get3A_550], %broadcast_in_dim3A_132 {add = true} : memref<1024xf32, #tpu.memory_space<vmem>>[vector<16xi32>], vector<16xf32>,
    %get3A_568 = arith.constant 368 : index
    %get3A_569 = tpu.vector_load %arg6[%get3A_568] {strides = array<i32>} : memref<512xi32, #tpu.memory_space<vmem>>, vector<16xi32>,
    %mul3A_570 = arith.constant 2 : i32
    %mul3A_571 = vector.broadcast %mul3A_570 : i32 to vector<16xi32>
    %mul3A_572 = arith.muli %get3A_569, %mul3A_571 : vector<16xi32>
    %gather3A_573 = tpu.vector_load_idx %arg7[%mul3A_572] : memref<2048xf32, #tpu.memory_space<vmem>>[vector<16xi32>], vector<16xf32>,
    %add3A_574 = arith.constant 1 : i32
    %add3A_575 = vector.broadcast %add3A_574 : i32 to vector<16xi32>
    %add3A_576 = arith.addi %mul3A_572, %add3A_575 : vector<16xi32>
    %gather3A_577 = tpu.vector_load_idx %arg7[%add3A_576] : memref<2048xf32, #tpu.memory_space<vmem>>[vector<16xi32>], vector<16xf32>,
    %add3A_578 = arith.constant 368 : i32
    %add3A_579 = vector.broadcast %add3A_578 : i32 to vector<16xi32>
    %add3A_580 = arith.addi %iota3A, %add3A_579 : vector<16xi32>
    %mul3A_581 = arith.constant 2 : i32
    %mul3A_582 = vector.broadcast %mul3A_581 : i32 to vector<16xi32>
    %mul3A_583 = arith.muli %add3A_580, %mul3A_582 : vector<16xi32>
    tpu.vector_store_idx %arg8[%mul3A_583], %gather3A_573 : memref<1024xf32, #tpu.memory_space<vmem>>[vector<16xi32>], vector<16xf32>,
    %add3A_584 = arith.constant 1 : i32
    %add3A_585 = vector.broadcast %add3A_584 : i32 to vector<16xi32>
    %add3A_586 = arith.addi %mul3A_583, %add3A_585 : vector<16xi32>
    tpu.vector_store_idx %arg8[%add3A_586], %gather3A_577 : memref<1024xf32, #tpu.memory_space<vmem>>[vector<16xi32>], vector<16xf32>,
    tpu.vector_store_idx %arg9[%get3A_569], %broadcast_in_dim3A_132 {add = true} : memref<1024xf32, #tpu.memory_space<vmem>>[vector<16xi32>], vector<16xf32>,
    %get3A_587 = arith.constant 384 : index
    %get3A_588 = tpu.vector_load %arg6[%get3A_587] {strides = array<i32>} : memref<512xi32, #tpu.memory_space<vmem>>, vector<16xi32>,
    %mul3A_589 = arith.constant 2 : i32
    %mul3A_590 = vector.broadcast %mul3A_589 : i32 to vector<16xi32>
    %mul3A_591 = arith.muli %get3A_588, %mul3A_590 : vector<16xi32>
    %gather3A_592 = tpu.vector_load_idx %arg7[%mul3A_591] : memref<2048xf32, #tpu.memory_space<vmem>>[vector<16xi32>], vector<16xf32>,
    %add3A_593 = arith.constant 1 : i32
    %add3A_594 = vector.broadcast %add3A_593 : i32 to vector<16xi32>
    %add3A_595 = arith.addi %mul3A_591, %add3A_594 : vector<16xi32>
    %gather3A_596 = tpu.vector_load_idx %arg7[%add3A_595] : memref<2048xf32, #tpu.memory_space<vmem>>[vector<16xi32>], vector<16xf32>,
    %add3A_597 = arith.constant 384 : i32
    %add3A_598 = vector.broadcast %add3A_597 : i32 to vector<16xi32>
    %add3A_599 = arith.addi %iota3A, %add3A_598 : vector<16xi32>
    %mul3A_600 = arith.constant 2 : i32
    %mul3A_601 = vector.broadcast %mul3A_600 : i32 to vector<16xi32>
    %mul3A_602 = arith.muli %add3A_599, %mul3A_601 : vector<16xi32>
    tpu.vector_store_idx %arg8[%mul3A_602], %gather3A_592 : memref<1024xf32, #tpu.memory_space<vmem>>[vector<16xi32>], vector<16xf32>,
    %add3A_603 = arith.constant 1 : i32
    %add3A_604 = vector.broadcast %add3A_603 : i32 to vector<16xi32>
    %add3A_605 = arith.addi %mul3A_602, %add3A_604 : vector<16xi32>
    tpu.vector_store_idx %arg8[%add3A_605], %gather3A_596 : memref<1024xf32, #tpu.memory_space<vmem>>[vector<16xi32>], vector<16xf32>,
    tpu.vector_store_idx %arg9[%get3A_588], %broadcast_in_dim3A_132 {add = true} : memref<1024xf32, #tpu.memory_space<vmem>>[vector<16xi32>], vector<16xf32>,
    %get3A_606 = arith.constant 400 : index
    %get3A_607 = tpu.vector_load %arg6[%get3A_606] {strides = array<i32>} : memref<512xi32, #tpu.memory_space<vmem>>, vector<16xi32>,
    %mul3A_608 = arith.constant 2 : i32
    %mul3A_609 = vector.broadcast %mul3A_608 : i32 to vector<16xi32>
    %mul3A_610 = arith.muli %get3A_607, %mul3A_609 : vector<16xi32>
    %gather3A_611 = tpu.vector_load_idx %arg7[%mul3A_610] : memref<2048xf32, #tpu.memory_space<vmem>>[vector<16xi32>], vector<16xf32>,
    %add3A_612 = arith.constant 1 : i32
    %add3A_613 = vector.broadcast %add3A_612 : i32 to vector<16xi32>
    %add3A_614 = arith.addi %mul3A_610, %add3A_613 : vector<16xi32>
    %gather3A_615 = tpu.vector_load_idx %arg7[%add3A_614] : memref<2048xf32, #tpu.memory_space<vmem>>[vector<16xi32>], vector<16xf32>,
    %add3A_616 = arith.constant 400 : i32
    %add3A_617 = vector.broadcast %add3A_616 : i32 to vector<16xi32>
    %add3A_618 = arith.addi %iota3A, %add3A_617 : vector<16xi32>
    %mul3A_619 = arith.constant 2 : i32
    %mul3A_620 = vector.broadcast %mul3A_619 : i32 to vector<16xi32>
    %mul3A_621 = arith.muli %add3A_618, %mul3A_620 : vector<16xi32>
    tpu.vector_store_idx %arg8[%mul3A_621], %gather3A_611 : memref<1024xf32, #tpu.memory_space<vmem>>[vector<16xi32>], vector<16xf32>,
    %add3A_622 = arith.constant 1 : i32
    %add3A_623 = vector.broadcast %add3A_622 : i32 to vector<16xi32>
    %add3A_624 = arith.addi %mul3A_621, %add3A_623 : vector<16xi32>
    tpu.vector_store_idx %arg8[%add3A_624], %gather3A_615 : memref<1024xf32, #tpu.memory_space<vmem>>[vector<16xi32>], vector<16xf32>,
    tpu.vector_store_idx %arg9[%get3A_607], %broadcast_in_dim3A_132 {add = true} : memref<1024xf32, #tpu.memory_space<vmem>>[vector<16xi32>], vector<16xf32>,
    %get3A_625 = arith.constant 416 : index
    %get3A_626 = tpu.vector_load %arg6[%get3A_625] {strides = array<i32>} : memref<512xi32, #tpu.memory_space<vmem>>, vector<16xi32>,
    %mul3A_627 = arith.constant 2 : i32
    %mul3A_628 = vector.broadcast %mul3A_627 : i32 to vector<16xi32>
    %mul3A_629 = arith.muli %get3A_626, %mul3A_628 : vector<16xi32>
    %gather3A_630 = tpu.vector_load_idx %arg7[%mul3A_629] : memref<2048xf32, #tpu.memory_space<vmem>>[vector<16xi32>], vector<16xf32>,
    %add3A_631 = arith.constant 1 : i32
    %add3A_632 = vector.broadcast %add3A_631 : i32 to vector<16xi32>
    %add3A_633 = arith.addi %mul3A_629, %add3A_632 : vector<16xi32>
    %gather3A_634 = tpu.vector_load_idx %arg7[%add3A_633] : memref<2048xf32, #tpu.memory_space<vmem>>[vector<16xi32>], vector<16xf32>,
    %add3A_635 = arith.constant 416 : i32
    %add3A_636 = vector.broadcast %add3A_635 : i32 to vector<16xi32>
    %add3A_637 = arith.addi %iota3A, %add3A_636 : vector<16xi32>
    %mul3A_638 = arith.constant 2 : i32
    %mul3A_639 = vector.broadcast %mul3A_638 : i32 to vector<16xi32>
    %mul3A_640 = arith.muli %add3A_637, %mul3A_639 : vector<16xi32>
    tpu.vector_store_idx %arg8[%mul3A_640], %gather3A_630 : memref<1024xf32, #tpu.memory_space<vmem>>[vector<16xi32>], vector<16xf32>,
    %add3A_641 = arith.constant 1 : i32
    %add3A_642 = vector.broadcast %add3A_641 : i32 to vector<16xi32>
    %add3A_643 = arith.addi %mul3A_640, %add3A_642 : vector<16xi32>
    tpu.vector_store_idx %arg8[%add3A_643], %gather3A_634 : memref<1024xf32, #tpu.memory_space<vmem>>[vector<16xi32>], vector<16xf32>,
    tpu.vector_store_idx %arg9[%get3A_626], %broadcast_in_dim3A_132 {add = true} : memref<1024xf32, #tpu.memory_space<vmem>>[vector<16xi32>], vector<16xf32>,
    %get3A_644 = arith.constant 432 : index
    %get3A_645 = tpu.vector_load %arg6[%get3A_644] {strides = array<i32>} : memref<512xi32, #tpu.memory_space<vmem>>, vector<16xi32>,
    %mul3A_646 = arith.constant 2 : i32
    %mul3A_647 = vector.broadcast %mul3A_646 : i32 to vector<16xi32>
    %mul3A_648 = arith.muli %get3A_645, %mul3A_647 : vector<16xi32>
    %gather3A_649 = tpu.vector_load_idx %arg7[%mul3A_648] : memref<2048xf32, #tpu.memory_space<vmem>>[vector<16xi32>], vector<16xf32>,
    %add3A_650 = arith.constant 1 : i32
    %add3A_651 = vector.broadcast %add3A_650 : i32 to vector<16xi32>
    %add3A_652 = arith.addi %mul3A_648, %add3A_651 : vector<16xi32>
    %gather3A_653 = tpu.vector_load_idx %arg7[%add3A_652] : memref<2048xf32, #tpu.memory_space<vmem>>[vector<16xi32>], vector<16xf32>,
    %add3A_654 = arith.constant 432 : i32
    %add3A_655 = vector.broadcast %add3A_654 : i32 to vector<16xi32>
    %add3A_656 = arith.addi %iota3A, %add3A_655 : vector<16xi32>
    %mul3A_657 = arith.constant 2 : i32
    %mul3A_658 = vector.broadcast %mul3A_657 : i32 to vector<16xi32>
    %mul3A_659 = arith.muli %add3A_656, %mul3A_658 : vector<16xi32>
    tpu.vector_store_idx %arg8[%mul3A_659], %gather3A_649 : memref<1024xf32, #tpu.memory_space<vmem>>[vector<16xi32>], vector<16xf32>,
    %add3A_660 = arith.constant 1 : i32
    %add3A_661 = vector.broadcast %add3A_660 : i32 to vector<16xi32>
    %add3A_662 = arith.addi %mul3A_659, %add3A_661 : vector<16xi32>
    tpu.vector_store_idx %arg8[%add3A_662], %gather3A_653 : memref<1024xf32, #tpu.memory_space<vmem>>[vector<16xi32>], vector<16xf32>,
    tpu.vector_store_idx %arg9[%get3A_645], %broadcast_in_dim3A_132 {add = true} : memref<1024xf32, #tpu.memory_space<vmem>>[vector<16xi32>], vector<16xf32>,
    %get3A_663 = arith.constant 448 : index
    %get3A_664 = tpu.vector_load %arg6[%get3A_663] {strides = array<i32>} : memref<512xi32, #tpu.memory_space<vmem>>, vector<16xi32>,
    %mul3A_665 = arith.constant 2 : i32
    %mul3A_666 = vector.broadcast %mul3A_665 : i32 to vector<16xi32>
    %mul3A_667 = arith.muli %get3A_664, %mul3A_666 : vector<16xi32>
    %gather3A_668 = tpu.vector_load_idx %arg7[%mul3A_667] : memref<2048xf32, #tpu.memory_space<vmem>>[vector<16xi32>], vector<16xf32>,
    %add3A_669 = arith.constant 1 : i32
    %add3A_670 = vector.broadcast %add3A_669 : i32 to vector<16xi32>
    %add3A_671 = arith.addi %mul3A_667, %add3A_670 : vector<16xi32>
    %gather3A_672 = tpu.vector_load_idx %arg7[%add3A_671] : memref<2048xf32, #tpu.memory_space<vmem>>[vector<16xi32>], vector<16xf32>,
    %add3A_673 = arith.constant 448 : i32
    %add3A_674 = vector.broadcast %add3A_673 : i32 to vector<16xi32>
    %add3A_675 = arith.addi %iota3A, %add3A_674 : vector<16xi32>
    %mul3A_676 = arith.constant 2 : i32
    %mul3A_677 = vector.broadcast %mul3A_676 : i32 to vector<16xi32>
    %mul3A_678 = arith.muli %add3A_675, %mul3A_677 : vector<16xi32>
    tpu.vector_store_idx %arg8[%mul3A_678], %gather3A_668 : memref<1024xf32, #tpu.memory_space<vmem>>[vector<16xi32>], vector<16xf32>,
    %add3A_679 = arith.constant 1 : i32
    %add3A_680 = vector.broadcast %add3A_679 : i32 to vector<16xi32>
    %add3A_681 = arith.addi %mul3A_678, %add3A_680 : vector<16xi32>
    tpu.vector_store_idx %arg8[%add3A_681], %gather3A_672 : memref<1024xf32, #tpu.memory_space<vmem>>[vector<16xi32>], vector<16xf32>,
    tpu.vector_store_idx %arg9[%get3A_664], %broadcast_in_dim3A_132 {add = true} : memref<1024xf32, #tpu.memory_space<vmem>>[vector<16xi32>], vector<16xf32>,
    %get3A_682 = arith.constant 464 : index
    %get3A_683 = tpu.vector_load %arg6[%get3A_682] {strides = array<i32>} : memref<512xi32, #tpu.memory_space<vmem>>, vector<16xi32>,
    %mul3A_684 = arith.constant 2 : i32
    %mul3A_685 = vector.broadcast %mul3A_684 : i32 to vector<16xi32>
    %mul3A_686 = arith.muli %get3A_683, %mul3A_685 : vector<16xi32>
    %gather3A_687 = tpu.vector_load_idx %arg7[%mul3A_686] : memref<2048xf32, #tpu.memory_space<vmem>>[vector<16xi32>], vector<16xf32>,
    %add3A_688 = arith.constant 1 : i32
    %add3A_689 = vector.broadcast %add3A_688 : i32 to vector<16xi32>
    %add3A_690 = arith.addi %mul3A_686, %add3A_689 : vector<16xi32>
    %gather3A_691 = tpu.vector_load_idx %arg7[%add3A_690] : memref<2048xf32, #tpu.memory_space<vmem>>[vector<16xi32>], vector<16xf32>,
    %add3A_692 = arith.constant 464 : i32
    %add3A_693 = vector.broadcast %add3A_692 : i32 to vector<16xi32>
    %add3A_694 = arith.addi %iota3A, %add3A_693 : vector<16xi32>
    %mul3A_695 = arith.constant 2 : i32
    %mul3A_696 = vector.broadcast %mul3A_695 : i32 to vector<16xi32>
    %mul3A_697 = arith.muli %add3A_694, %mul3A_696 : vector<16xi32>
    tpu.vector_store_idx %arg8[%mul3A_697], %gather3A_687 : memref<1024xf32, #tpu.memory_space<vmem>>[vector<16xi32>], vector<16xf32>,
    %add3A_698 = arith.constant 1 : i32
    %add3A_699 = vector.broadcast %add3A_698 : i32 to vector<16xi32>
    %add3A_700 = arith.addi %mul3A_697, %add3A_699 : vector<16xi32>
    tpu.vector_store_idx %arg8[%add3A_700], %gather3A_691 : memref<1024xf32, #tpu.memory_space<vmem>>[vector<16xi32>], vector<16xf32>,
    tpu.vector_store_idx %arg9[%get3A_683], %broadcast_in_dim3A_132 {add = true} : memref<1024xf32, #tpu.memory_space<vmem>>[vector<16xi32>], vector<16xf32>,
    %get3A_701 = arith.constant 480 : index
    %get3A_702 = tpu.vector_load %arg6[%get3A_701] {strides = array<i32>} : memref<512xi32, #tpu.memory_space<vmem>>, vector<16xi32>,
    %mul3A_703 = arith.constant 2 : i32
    %mul3A_704 = vector.broadcast %mul3A_703 : i32 to vector<16xi32>
    %mul3A_705 = arith.muli %get3A_702, %mul3A_704 : vector<16xi32>
    %gather3A_706 = tpu.vector_load_idx %arg7[%mul3A_705] : memref<2048xf32, #tpu.memory_space<vmem>>[vector<16xi32>], vector<16xf32>,
    %add3A_707 = arith.constant 1 : i32
    %add3A_708 = vector.broadcast %add3A_707 : i32 to vector<16xi32>
    %add3A_709 = arith.addi %mul3A_705, %add3A_708 : vector<16xi32>
    %gather3A_710 = tpu.vector_load_idx %arg7[%add3A_709] : memref<2048xf32, #tpu.memory_space<vmem>>[vector<16xi32>], vector<16xf32>,
    %add3A_711 = arith.constant 480 : i32
    %add3A_712 = vector.broadcast %add3A_711 : i32 to vector<16xi32>
    %add3A_713 = arith.addi %iota3A, %add3A_712 : vector<16xi32>
    %mul3A_714 = arith.constant 2 : i32
    %mul3A_715 = vector.broadcast %mul3A_714 : i32 to vector<16xi32>
    %mul3A_716 = arith.muli %add3A_713, %mul3A_715 : vector<16xi32>
    tpu.vector_store_idx %arg8[%mul3A_716], %gather3A_706 : memref<1024xf32, #tpu.memory_space<vmem>>[vector<16xi32>], vector<16xf32>,
    %add3A_717 = arith.constant 1 : i32
    %add3A_718 = vector.broadcast %add3A_717 : i32 to vector<16xi32>
    %add3A_719 = arith.addi %mul3A_716, %add3A_718 : vector<16xi32>
    tpu.vector_store_idx %arg8[%add3A_719], %gather3A_710 : memref<1024xf32, #tpu.memory_space<vmem>>[vector<16xi32>], vector<16xf32>,
    tpu.vector_store_idx %arg9[%get3A_702], %broadcast_in_dim3A_132 {add = true} : memref<1024xf32, #tpu.memory_space<vmem>>[vector<16xi32>], vector<16xf32>,
    %get3A_720 = arith.constant 496 : index
    %get3A_721 = tpu.vector_load %arg6[%get3A_720] {strides = array<i32>} : memref<512xi32, #tpu.memory_space<vmem>>, vector<16xi32>,
    %mul3A_722 = arith.constant 2 : i32
    %mul3A_723 = vector.broadcast %mul3A_722 : i32 to vector<16xi32>
    %mul3A_724 = arith.muli %get3A_721, %mul3A_723 : vector<16xi32>
    %gather3A_725 = tpu.vector_load_idx %arg7[%mul3A_724] : memref<2048xf32, #tpu.memory_space<vmem>>[vector<16xi32>], vector<16xf32>,
    %add3A_726 = arith.constant 1 : i32
    %add3A_727 = vector.broadcast %add3A_726 : i32 to vector<16xi32>
    %add3A_728 = arith.addi %mul3A_724, %add3A_727 : vector<16xi32>
    %gather3A_729 = tpu.vector_load_idx %arg7[%add3A_728] : memref<2048xf32, #tpu.memory_space<vmem>>[vector<16xi32>], vector<16xf32>,
    %add3A_730 = arith.constant 496 : i32
    %add3A_731 = vector.broadcast %add3A_730 : i32 to vector<16xi32>
    %add3A_732 = arith.addi %iota3A, %add3A_731 : vector<16xi32>
    %mul3A_733 = arith.constant 2 : i32
    %mul3A_734 = vector.broadcast %mul3A_733 : i32 to vector<16xi32>
    %mul3A_735 = arith.muli %add3A_732, %mul3A_734 : vector<16xi32>
    tpu.vector_store_idx %arg8[%mul3A_735], %gather3A_725 : memref<1024xf32, #tpu.memory_space<vmem>>[vector<16xi32>], vector<16xf32>,
    %add3A_736 = arith.constant 1 : i32
    %add3A_737 = vector.broadcast %add3A_736 : i32 to vector<16xi32>
    %add3A_738 = arith.addi %mul3A_735, %add3A_737 : vector<16xi32>
    tpu.vector_store_idx %arg8[%add3A_738], %gather3A_729 : memref<1024xf32, #tpu.memory_space<vmem>>[vector<16xi32>], vector<16xf32>,
    tpu.vector_store_idx %arg9[%get3A_721], %broadcast_in_dim3A_132 {add = true} : memref<1024xf32, #tpu.memory_space<vmem>>[vector<16xi32>], vector<16xf32>,
    %mul3A_739 = arith.constant 2 : i32
    %mul3A_740 = arith.muli %mul3A_739, %mul3A_2 : i32
    "tpu.region"() ({
      %run_scoped3A = tpu.sem_alloc : memref<!tpu.dma_semaphore, #tpu.memory_space<semaphore_mem>>
      %dma_start3A = tpu.memref_slice %arg4[%mul3A_740] : memref<32768xf32, #tpu.memory_space<hbm>> -> memref<1024xf32, #tpu.memory_space<hbm>>
      %dma_start3A_741 = tpu.memref_slice %arg4[%mul3A_740] : memref<32768xf32, #tpu.memory_space<hbm>> -> memref<1024xf32, #tpu.memory_space<hbm>>
      tpu.enqueue_dma source(%arg8 : memref<1024xf32, #tpu.memory_space<vmem>>) target(%dma_start3A_741 : memref<1024xf32, #tpu.memory_space<hbm>>) target_semaphore(%run_scoped3A : memref<!tpu.dma_semaphore, #tpu.memory_space<semaphore_mem>>)
      %dma_wait3A = tpu.memref_slice %arg4[%mul3A_740] : memref<32768xf32, #tpu.memory_space<hbm>> -> memref<1024xf32, #tpu.memory_space<hbm>>
      %dma_wait3A_742 = tpu.memref_slice %arg4[%mul3A_740] : memref<32768xf32, #tpu.memory_space<hbm>> -> memref<1024xf32, #tpu.memory_space<hbm>>
      tpu.wait_dma2 semaphore(%run_scoped3A : memref<!tpu.dma_semaphore, #tpu.memory_space<semaphore_mem>>) src(%arg8 : memref<1024xf32, #tpu.memory_space<vmem>>) dst(%dma_wait3A_742 : memref<1024xf32, #tpu.memory_space<hbm>>)
      tpu.yield
    }) : () -> ()
    "tpu.region"() ({
      %run_scoped3A = tpu.sem_alloc : memref<!tpu.dma_semaphore, #tpu.memory_space<semaphore_mem>>
      %dma_start3A = arith.constant 0 : i32
      %dma_start3A_741 = tpu.memref_slice %arg5[%add3A, %dma_start3A] : memref<32x1024xf32, #tpu.memory_space<hbm>> -> memref<1x1024xf32, #tpu.memory_space<hbm>>
      %dma_start3A_742 = tpu.memref_squeeze %dma_start3A_741 : memref<1x1024xf32, #tpu.memory_space<hbm>> -> memref<1024xf32, #tpu.memory_space<hbm>>
      %dma_start3A_743 = arith.constant 0 : i32
      %dma_start3A_744 = tpu.memref_slice %arg5[%add3A, %dma_start3A_743] : memref<32x1024xf32, #tpu.memory_space<hbm>> -> memref<1x1024xf32, #tpu.memory_space<hbm>>
      %dma_start3A_745 = tpu.memref_squeeze %dma_start3A_744 : memref<1x1024xf32, #tpu.memory_space<hbm>> -> memref<1024xf32, #tpu.memory_space<hbm>>
      tpu.enqueue_dma source(%arg9 : memref<1024xf32, #tpu.memory_space<vmem>>) target(%dma_start3A_745 : memref<1024xf32, #tpu.memory_space<hbm>>) target_semaphore(%run_scoped3A : memref<!tpu.dma_semaphore, #tpu.memory_space<semaphore_mem>>)
      %dma_wait3A = arith.constant 0 : i32
      %dma_wait3A_746 = tpu.memref_slice %arg5[%add3A, %dma_wait3A] : memref<32x1024xf32, #tpu.memory_space<hbm>> -> memref<1x1024xf32, #tpu.memory_space<hbm>>
      %dma_wait3A_747 = tpu.memref_squeeze %dma_wait3A_746 : memref<1x1024xf32, #tpu.memory_space<hbm>> -> memref<1024xf32, #tpu.memory_space<hbm>>
      %dma_wait3A_748 = arith.constant 0 : i32
      %dma_wait3A_749 = tpu.memref_slice %arg5[%add3A, %dma_wait3A_748] : memref<32x1024xf32, #tpu.memory_space<hbm>> -> memref<1x1024xf32, #tpu.memory_space<hbm>>
      %dma_wait3A_750 = tpu.memref_squeeze %dma_wait3A_749 : memref<1x1024xf32, #tpu.memory_space<hbm>> -> memref<1024xf32, #tpu.memory_space<hbm>>
      tpu.wait_dma2 semaphore(%run_scoped3A : memref<!tpu.dma_semaphore, #tpu.memory_space<semaphore_mem>>) src(%arg9 : memref<1024xf32, #tpu.memory_space<vmem>>) dst(%dma_wait3A_750 : memref<1024xf32, #tpu.memory_space<hbm>>)
      tpu.yield
    }) : () -> ()
    return
  }
}

module attributes {stable_mosaic.version = 14 : i64} {
  func.func @_dist_body(%arg0: i32, %arg1: memref<2048x2xf32, #tpu.memory_space<vmem>>, %arg2: memref<1024x2xf32, #tpu.memory_space<vmem>>, %arg3: memref<16x128xi32, #tpu.memory_space<vmem>>, %arg4: memref<1x1xf32, #tpu.memory_space<smem>>, %arg5: memref<1xf32, #tpu.memory_space<smem>>) attributes {dimension_semantics = [#tpu.dimension_semantics<arbitrary>], iteration_bounds = array<i64: 8>, scalar_prefetch = 0 : i64, scratch_operands = 1 : i64, tpu.core_type = #tpu.core_type<tc>, window_params = [{transform_indices = @transform_0, window_bounds = array<i64: 2048, 2>}, {pipeline_mode = #tpu.pipeline_mode<synchronous>, transform_indices = @transform_1, window_bounds = array<i64: 1024, 2>}, {transform_indices = @transform_2, window_bounds = array<i64: 16, 128>}, {transform_indices = @transform_3, window_bounds = array<i64: 1, 1>}]} {
    %get3A = arith.constant 0 : index
    %get3A_0 = arith.constant 0 : index
    %get3A_1 = vector.load %arg1[%get3A, %get3A_0] : memref<2048x2xf32, #tpu.memory_space<vmem>>, vector<2048x2xf32>
    %get3A_2 = arith.constant 0 : index
    %get3A_3 = arith.constant 0 : index
    %get3A_4 = vector.load %arg2[%get3A_2, %get3A_3] : memref<1024x2xf32, #tpu.memory_space<vmem>>, vector<1024x2xf32>
    %mul3A = arith.mulf %get3A_1, %get3A_1 : vector<2048x2xf32>
    %reduce_sum3A = arith.constant dense<0.000000e+00> : vector<2048xf32>
    %reduce_sum3A_5 = vector.multi_reduction <add>, %mul3A, %reduce_sum3A [1] : vector<2048x2xf32> to vector<2048xf32>
    %broadcast_in_dim3A = vector.shape_cast %reduce_sum3A_5 : vector<2048xf32> to vector<2048x1xf32>
    %mul3A_6 = arith.mulf %get3A_4, %get3A_4 : vector<1024x2xf32>
    %reduce_sum3A_7 = arith.constant dense<0.000000e+00> : vector<1024xf32>
    %reduce_sum3A_8 = vector.multi_reduction <add>, %mul3A_6, %reduce_sum3A_7 [1] : vector<1024x2xf32> to vector<1024xf32>
    %mul3A_9 = arith.constant -2.000000e+00 : f32
    %mul3A_10 = vector.broadcast %mul3A_9 : f32 to vector<1024x2xf32>
    %mul3A_11 = arith.mulf %get3A_4, %mul3A_10 : vector<1024x2xf32>
    %dot_general3A = arith.constant dense<0.000000e+00> : vector<2048x1024xf32>
    %dot_general3A_12 = tpu.matmul %get3A_1, %mul3A_11, %dot_general3A {dimension_numbers = #tpu.dot_dimension_numbers<[1], [1], [0], [0], [0, 0, 1, 0], [], []>, transpose_lhs_hint = false} : vector<2048x2xf32>, vector<1024x2xf32>, vector<2048x1024xf32> -> vector<2048x1024xf32>
    %broadcast_in_dim3A_13 = vector.shape_cast %reduce_sum3A_8 : vector<1024xf32> to vector<1x1024xf32>
    %add3A = vector.broadcast %broadcast_in_dim3A : vector<2048x1xf32> to vector<2048x1024xf32>
    %add3A_14 = vector.broadcast %broadcast_in_dim3A_13 : vector<1x1024xf32> to vector<2048x1024xf32>
    %add3A_15 = arith.addf %add3A, %add3A_14 : vector<2048x1024xf32>
    %add3A_16 = arith.addf %add3A_15, %dot_general3A_12 : vector<2048x1024xf32>
    %reduce_min3A = arith.constant dense<0x7F800000> : vector<2048xf32>
    %reduce_min3A_17 = vector.multi_reduction <minimumf>, %add3A_16, %reduce_min3A [1] : vector<2048x1024xf32> to vector<2048xf32>
    %broadcast_in_dim3A_18 = vector.shape_cast %reduce_min3A_17 : vector<2048xf32> to vector<2048x1xf32>
    %iota3A = tpu.iota {dimensions = array<i32: 1>} : vector<2048x1024xi32>
    %eq3A = vector.broadcast %broadcast_in_dim3A_18 : vector<2048x1xf32> to vector<2048x1024xf32>
    %eq3A_19 = arith.cmpf oeq, %add3A_16, %eq3A : vector<2048x1024xf32>
    %jit3A = arith.constant 1024 : i32
    %broadcast_in_dim3A_20 = vector.broadcast %jit3A : i32 to vector<2048x1024xi32>
    %select_n3A = arith.select %eq3A_19, %iota3A, %broadcast_in_dim3A_20 : vector<2048x1024xi1>, vector<2048x1024xi32>
    %reduce_min3A_21 = arith.constant dense<2147483647> : vector<2048xi32>
    %reduce_min3A_22 = vector.multi_reduction <minsi>, %select_n3A, %reduce_min3A_21 [1] : vector<2048x1024xi32> to vector<2048xi32>
    %reshape3A = vector.shape_cast %reduce_min3A_22 : vector<2048xi32> to vector<16x128xi32>
    %swap3A = arith.constant 0 : index
    %swap3A_23 = arith.constant 0 : index
    %swap3A_24 = vector.load %arg3[%swap3A, %swap3A_23] : memref<16x128xi32, #tpu.memory_space<vmem>>, vector<16x128xi32>
    tpu.vector_store %arg3[%swap3A, %swap3A_23], %reshape3A {strides = array<i32>} : memref<16x128xi32, #tpu.memory_space<vmem>>, vector<16x128xi32>,
    %reduce_sum3A_25 = vector.shape_cast %broadcast_in_dim3A_18 : vector<2048x1xf32> to vector<1x2048x1xf32>
    %reduce_sum3A_26 = arith.constant dense<0.000000e+00> : vector<1xf32>
    %reduce_sum3A_27 = vector.multi_reduction <add>, %reduce_sum3A_25, %reduce_sum3A_26 [1, 2] : vector<1x2048x1xf32> to vector<1xf32>
    %reduce_sum3A_28 = vector.shape_cast %reduce_sum3A_27 : vector<1xf32> to vector<1x1x1xf32>
    %reduce_sum3A_29 = vector.extract %reduce_sum3A_28[0, 0, 0] : f32 from vector<1x1x1xf32>
    %eq3A_30 = arith.constant 0 : i32
    %eq3A_31 = arith.cmpi eq, %arg0, %eq3A_30 : i32
    %convert_element_type3A = arith.extui %eq3A_31 : i1 to i32
    %cond3A = arith.constant 0 : i32
    %cond3A_32 = arith.cmpi ne, %convert_element_type3A, %cond3A : i32
    scf.if %cond3A_32 {
      %swap3A_42 = arith.constant 0 : index
      %swap3A_43 = memref.load %arg5[%swap3A_42] : memref<1xf32, #tpu.memory_space<smem>>
      memref.store %reduce_sum3A_29, %arg5[%swap3A_42] : memref<1xf32, #tpu.memory_space<smem>>
    } else {
    }
    %gt3A = arith.constant 0 : i32
    %gt3A_33 = arith.cmpi sgt, %arg0, %gt3A : i32
    %convert_element_type3A_34 = arith.extui %gt3A_33 : i1 to i32
    %cond3A_35 = arith.constant 0 : i32
    %cond3A_36 = arith.cmpi ne, %convert_element_type3A_34, %cond3A_35 : i32
    scf.if %cond3A_36 {
      %get3A_42 = arith.constant 0 : index
      %get3A_43 = memref.load %arg5[%get3A_42] : memref<1xf32, #tpu.memory_space<smem>>
      %add3A_44 = arith.addf %get3A_43, %reduce_sum3A_29 : f32
      %swap3A_45 = arith.constant 0 : index
      %swap3A_46 = memref.load %arg5[%swap3A_45] : memref<1xf32, #tpu.memory_space<smem>>
      memref.store %add3A_44, %arg5[%swap3A_45] : memref<1xf32, #tpu.memory_space<smem>>
    } else {
    }
    %eq3A_37 = arith.constant 7 : i32
    %eq3A_38 = arith.cmpi eq, %arg0, %eq3A_37 : i32
    %convert_element_type3A_39 = arith.extui %eq3A_38 : i1 to i32
    %cond3A_40 = arith.constant 0 : i32
    %cond3A_41 = arith.cmpi ne, %convert_element_type3A_39, %cond3A_40 : i32
    scf.if %cond3A_41 {
      %get3A_42 = arith.constant 0 : index
      %get3A_43 = memref.load %arg5[%get3A_42] : memref<1xf32, #tpu.memory_space<smem>>
      %mul3A_44 = arith.constant 3.05175781E-5 : f32
      %mul3A_45 = arith.mulf %get3A_43, %mul3A_44 : f32
      %swap3A_46 = arith.constant 0 : index
      %swap3A_47 = arith.constant 0 : index
      %swap3A_48 = memref.load %arg4[%swap3A_46, %swap3A_47] : memref<1x1xf32, #tpu.memory_space<smem>>
      memref.store %mul3A_45, %arg4[%swap3A_46, %swap3A_47] : memref<1x1xf32, #tpu.memory_space<smem>>
    } else {
    }
    return
  }
  func.func @transform_0(%arg0: i32) -> (i32, i32) {
    %c0_i32 = arith.constant 0 : i32
    %c0_i32_0 = arith.constant 0 : i32
    return %arg0, %c0_i32 : i32, i32
  }
  func.func @transform_1(%arg0: i32) -> (i32, i32) {
    %c0_i32 = arith.constant 0 : i32
    %c0_i32_0 = arith.constant 0 : i32
    %c0_i32_1 = arith.constant 0 : i32
    return %c0_i32, %c0_i32_0 : i32, i32
  }
  func.func @transform_2(%arg0: i32) -> (i32, i32) {
    %c0_i32 = arith.constant 0 : i32
    %c0_i32_0 = arith.constant 0 : i32
    return %arg0, %c0_i32 : i32, i32
  }
  func.func @transform_3(%arg0: i32) -> (i32, i32) {
    %c0_i32 = arith.constant 0 : i32
    %c0_i32_0 = arith.constant 0 : i32
    %c0_i32_1 = arith.constant 0 : i32
    return %c0_i32, %c0_i32_0 : i32, i32
  }
}

module attributes {stable_mosaic.version = 14 : i64} {
  func.func @_fin_body(%arg0: memref<32x1024xf32, #tpu.memory_space<vmem>>, %arg1: memref<1x1xf32, #tpu.memory_space<vmem>>) attributes {dimension_semantics = [], scalar_prefetch = 0 : i64, scratch_operands = 0 : i64, tpu.core_type = #tpu.core_type<tc>} {
    %get3A = arith.constant 0 : index
    %get3A_0 = arith.constant 0 : index
    %get3A_1 = vector.load %arg0[%get3A, %get3A_0] : memref<32x1024xf32, #tpu.memory_space<vmem>>, vector<32x1024xf32>
    %reduce_sum3A = arith.constant dense<0.000000e+00> : vector<1024xf32>
    %reduce_sum3A_2 = vector.multi_reduction <add>, %get3A_1, %reduce_sum3A [0] : vector<32x1024xf32> to vector<1024xf32>
    %broadcast_in_dim3A = vector.shape_cast %reduce_sum3A_2 : vector<1024xf32> to vector<1x1024xf32>
    %mul3A = arith.constant 6.10351563E-5 : f32
    %mul3A_3 = vector.broadcast %mul3A : f32 to vector<1x1024xf32>
    %mul3A_4 = arith.mulf %broadcast_in_dim3A, %mul3A_3 : vector<1x1024xf32>
    %add3A = arith.constant 1.000000e-10 : f32
    %add3A_5 = vector.broadcast %add3A : f32 to vector<1x1024xf32>
    %add3A_6 = arith.addf %mul3A_4, %add3A_5 : vector<1x1024xf32>
    %log3A = math.log %add3A_6 : vector<1x1024xf32>
    %mul3A_7 = arith.mulf %mul3A_4, %log3A : vector<1x1024xf32>
    %reduce_sum3A_8 = vector.shape_cast %mul3A_7 : vector<1x1024xf32> to vector<1x1x1024xf32>
    %reduce_sum3A_9 = arith.constant dense<0.000000e+00> : vector<1xf32>
    %reduce_sum3A_10 = vector.multi_reduction <add>, %reduce_sum3A_8, %reduce_sum3A_9 [1, 2] : vector<1x1x1024xf32> to vector<1xf32>
    %reduce_sum3A_11 = vector.shape_cast %reduce_sum3A_10 : vector<1xf32> to vector<1x1x1xf32>
    %reduce_sum3A_12 = vector.extract %reduce_sum3A_11[0, 0, 0] : f32 from vector<1x1x1xf32>
    %neg3A = arith.constant 0.000000e+00 : f32
    %neg3A_13 = arith.subf %neg3A, %reduce_sum3A_12 : f32
    %exp3A = math.exp %neg3A_13 : f32
    %broadcast_in_dim3A_14 = vector.broadcast %exp3A : f32 to vector<1x1xf32>
    %swap3A = arith.constant 0 : index
    %swap3A_15 = arith.constant 0 : index
    %swap3A_16 = vector.load %arg1[%swap3A, %swap3A_15] : memref<1x1xf32, #tpu.memory_space<vmem>>, vector<1x1xf32>
    tpu.vector_store %arg1[%swap3A, %swap3A_15], %broadcast_in_dim3A_14 {strides = array<i32>} : memref<1x1xf32, #tpu.memory_space<vmem>>, vector<1x1xf32>,
    return
  }
}

</mosaic_0001>

<sc_bundles>
// kernel: kernel.5.cloned.1.call-start
scs
__scs_entry_jumppad:
0x0: {  	(pc) =	sbr.rel $0x88, $3  }
0x1: {  	(tag) =	ssettag $0x0;
	lr =	simm.s32 $0x1  }
0x2: {  	[smem:$0x3F9F] =	sst lr;
	_ =	strace $0xD0000000  }
0x3: {  	_ = 	snop  }
0x4: {  	_ = 	snop  }
0x5: {  	_ = 	snop  }
0x6: {  	_ = 	snop  }
0x7: {  	_ = 	snop  }
__scs_overlays_trampoline_lowered:
0x8: {  	[smem:$0x3FAE] =	sst s0  }
0x9: {  	[smem:$0x3FAF] =	sst s1  }
0xa: {  	[smem:$0x3FB0] =	sst s2  }
0xb: {  	[smem:$0x3FB1] =	sst s3  }
0xc: {  	[smem:$0x3FB2] =	sst s4  }
0xd: {  	[smem:$0x3FB3] =	sst s5  }
0xe: {  	[smem:$0x3FB4] =	sst s6  }
0xf: {  	[smem:$0x3FB5] =	sst s7  }
0x10: {  	[smem:$0x3FB6] =	sst s8  }
0x11: {  	[smem:$0x3FB7] =	sst s9;
	s0 =	simm.s32 @!p0 $0x0  }
0x12: {  	s1 =	sld [smem:$0x3F9D];
	s0 =	simm.s32 @p0 $0x1  }
0x13: {  	[smem:$0x3FB8] =	sst s0;
	s0 =	simm.s32 @!p1 $0x0  }
0x14: {  	s2 =	sld [smem:$0x3F9C];
	s0 =	simm.s32 @p1 $0x1  }
0x15: {  	[smem:$0x3FB9] =	sst s0;
	s0 =	simm.s32 @!p2 $0x0  }
0x16: {  	s3 =	sld [smem:$0x3FDB];
	s0 =	simm.s32 @p2 $0x1  }
0x17: {  	s4 =	simm.s32 $0x1BF5;
	[smem:$0x3FBB] =	sst s0  }
0x18: {  	s0 =	sld [smem:$0x3F9E];
	_ =	swait.ge [sflag:s4], $0x0  }
0x19: {  	s7 =	sld [smem:$0x3F9F]  }
0x1a: {  	s8 =	sadd.s32 $0xFFFFE003, lr  }
0x1b: {  	s9 =	sadd.s32 $0xFFFFFEF7, lr;
	s5 =	simm.s32 $0xFFFFFFFF;
	p2 =	slt.u32 s8, $0xFFFFF086  }
0x1c: {  	p1 =	slt.u32 s9, $0xF7A;
	s5 =	simm.s32 @!p2 $0x0  }
0x1d: {  	s5 =	simm.s32 @p1 $0x1;
	p0 =	seq.s32 s7, s2  }
0x1e: {  	s7 =	smul.u32 @!p0 $0xF7A, s2;
	p2 =	seq.s32 @!p0 s5, $0x0  }
0x1f: {  	s9 =	smul.u32 $0xF7A, s1;
	s8 =	simm.s32 @!p0 $0x1BF5;
	p2 =	por !p2, p0  }
0x20: {  	[sflag:s8] =	ssyncset.s32 @!p0 $0xFFFFF086;
	s6 =	sadd.s32 @!p0 s3, s7;
	s7 =	simm.s32 @!p0 $0x108  }
0x21: {  	s3 =	sadd.s32 s3, s9;
	s6 =	sadd.s32 @!p0 $0x88, s6;
	s7 =	simm.s32 @p2 $0x1082  }
0x22: {  	[simem:s7], [sflag:s8] =	dma.local @!p0 [hbm:s6], $0xF7A  }
0x23: {  	s9 =	sor.u32 $0xD0000000, s2;
	s6 =	simm.s32 $0x108;
	_ =	swait.ge @!p0 [sflag:s8], $0x0  }
0x24: {  	s3 =	sadd.s32 $0x88, s3;
	s6 =	simm.s32 @!p1 $0x1082;
	[sflag:s4] =	ssyncset.s32 $0xFFFFF086  }
0x25: {  	[simem:s6], [sflag:s4] =	dma.local [hbm:s3], $0xF7A  }
0x26: {  	[smem:$0x3F9F] =	sst s1;
	(tag) =	ssettag s2;
	_ =	strace s9  }
0x27: {  	s1 =	sld [smem:$0x3FAF]  }
0x28: {  	s2 =	sld [smem:$0x3FB0]  }
0x29: {  	s4 =	sld [smem:$0x3FB2]  }
0x2a: {  	p0 =	seq.s32 s5, $0x0;
	s5 =	sld [smem:$0x3FB3]  }
0x2b: {  	s6 =	sld [smem:$0x3FB4]  }
0x2c: {  	s7 =	sld [smem:$0x3FB5]  }
0x2d: {  	s3 =	simm.s32 $0x108;
	s8 =	sld [smem:$0x3FB6]  }
0x2e: {  	s3 =	simm.s32 @!p0 $0x1082;
	s9 =	sld [smem:$0x3FB7]  }
0x2f: {  	lr =	sadd.s32 s0, s3;
	s0 =	sld [smem:$0x3FAE]  }
0x30: {  	s3 =	sld [smem:$0x3FB1]  }
0x31: {  	[smem:$0x3FBA] =	sst s10  }
0x32: {  	s10 =	sld [smem:$0x3FB8];
	_ =	sdelay $0x3  }
0x33: {  	p0 =	seq.s32 s10, $0x1;
	s10 =	sld [smem:$0x3FBA];
	_ =	sdelay $0x3  }
0x34: {  	[smem:$0x3FBA] =	sst s10  }
0x35: {  	s10 =	sld [smem:$0x3FB9];
	_ =	sdelay $0x3  }
0x36: {  	p1 =	seq.s32 s10, $0x1;
	s10 =	sld [smem:$0x3FBA];
	_ =	sdelay $0x3  }
0x37: {  	[smem:$0x3FBA] =	sst s10  }
0x38: {  	s10 =	sld [smem:$0x3FBB]  }
0x39: {  	_ = 	snop;
	(pc) =	sbr.ind lr, $3  }
0x3a: {  	_ = 	snop  }
0x3b: {  	_ = 	snop  }
0x3c: {  	p2 =	seq.s32 s10, $0x1;
	s10 =	sld [smem:$0x3FBA]  }
0x3d: {  	_ =	shalt  }
0x3e: {  	_ =	shalt  }
0x3f: {  	_ =	shalt  }
0x40: {  	_ =	shalt  }
0x41: {  	_ =	shalt  }
0x42: {  	_ =	shalt  }
0x43: {  	_ =	shalt  }
0x44: {  	_ =	shalt  }
0x45: {  	_ =	shalt  }
0x46: {  	_ =	shalt  }
0x47: {  	_ =	shalt  }
0x48: {  	_ =	shalt  }
0x49: {  	_ =	shalt  }
0x4a: {  	_ =	shalt  }
0x4b: {  	_ =	shalt  }
0x4c: {  	_ =	shalt  }
0x4d: {  	_ =	shalt  }
0x4e: {  	_ =	shalt  }
0x4f: {  	_ =	shalt  }
0x50: {  	_ =	shalt  }
0x51: {  	_ =	shalt  }
0x52: {  	_ =	shalt  }
0x53: {  	_ =	shalt  }
0x54: {  	_ =	shalt  }
0x55: {  	_ =	shalt  }
0x56: {  	_ =	shalt  }
0x57: {  	_ =	shalt  }
0x58: {  	_ =	shalt  }
0x59: {  	_ =	shalt  }
0x5a: {  	_ =	shalt  }
0x5b: {  	_ =	shalt  }
0x5c: {  	_ =	shalt  }
0x5d: {  	_ =	shalt  }
0x5e: {  	_ =	shalt  }
0x5f: {  	_ =	shalt  }
0x60: {  	_ =	shalt  }
0x61: {  	_ =	shalt  }
0x62: {  	_ =	shalt  }
0x63: {  	_ =	shalt  }
0x64: {  	_ =	shalt  }
0x65: {  	_ =	shalt  }
0x66: {  	_ =	shalt  }
0x67: {  	_ =	shalt  }
0x68: {  	_ =	shalt  }
0x69: {  	_ =	shalt  }
0x6a: {  	_ =	shalt  }
0x6b: {  	_ =	shalt  }
0x6c: {  	_ =	shalt  }
0x6d: {  	_ =	shalt  }
0x6e: {  	_ =	shalt  }
0x6f: {  	_ =	shalt  }
0x70: {  	_ =	shalt  }
0x71: {  	_ =	shalt  }
0x72: {  	_ =	shalt  }
0x73: {  	_ =	shalt  }
0x74: {  	_ =	shalt  }
0x75: {  	_ =	shalt  }
0x76: {  	_ =	shalt  }
0x77: {  	_ =	shalt  }
0x78: {  	_ =	shalt  }
0x79: {  	_ =	shalt  }
0x7a: {  	_ =	shalt  }
0x7b: {  	_ =	shalt  }
0x7c: {  	_ =	shalt  }
0x7d: {  	_ =	shalt  }
0x7e: {  	_ =	shalt  }
0x7f: {  	_ =	shalt  }
0x80: {  	_ =	shalt  }
0x81: {  	_ =	shalt  }
0x82: {  	_ =	shalt  }
0x83: {  	_ =	shalt  }
0x84: {  	_ =	shalt  }
0x85: {  	_ =	shalt  }
0x86: {  	_ =	shalt  }
0x87: {  	_ =	shalt  }
.Lfunc_end0:
.L_simem_size_0:
called_computation_lowered:
.L_overlay_start_0:
0x88: {  	s2 =	sld [smem:$0x3FD9]  }
0x89: {  	s3 =	sld [smem:$0x3FFE];
	_ =	sdelay $0x1  }
0x8a: {  	s1 =	srdreg.scid  }
0x8b: {  	s0 =	sand.u32 $0x1, s1  }
0x8c: {  	s14 =	sshll.u32 s0, $0xA;
	s2 =	sadd.s32 s3, s2  }
0x8d: {  	s2 =	sadd.s32 s2, s14  }
0x8e: {  	[smem:$0x3FC6] =	sst s2  }
0x8f: {  	_ = 	snop  }
0x90: {  	s2 =	sld [smem:$0x3FD0];
	_ =	sdelay $0x2  }
0x91: {  	s15 =	simm.s32 $0xA;
	s4 =	simm.s32 $0x10  }
0x92: {  	[smem:s4], [sflag:s15] =	dma.local [hbm:s2], $0x1  }
0x93: {  	_ =	swait.eq [sflag:s15], $0x1  }
0x94: {  	[sflag:s15] =	ssyncset.done $0x0  }
0x95: {  	[sflag:s15] =	ssyncadd.s32 $0xFFFFFFFF  }
0x96: {  	s16 =	sld [smem:$0x10];
	(tm) =	ssettm $0x1  }
0x97: {  	s17 =	sld [smem:$0x3FFB];
	_ =	sdelay $0x3  }
0x98: {  	_ =	strace s17  }
0x99: {  	s3 =	sld [smem:$0x3FFC];
	_ =	sdelay $0x3  }
0x9a: {  	_ =	strace s3  }
0x9b: {  	s3 =	sld [smem:$0x3FFD];
	_ =	sdelay $0x3  }
0x9c: {  	_ =	strace s3  }
0x9d: {  	_ =	strace $0x8FFFFFFF  }
0x9e: {  	s18 =	sld [smem:$0x3FDB];
	_ =	sdelay $0x1  }
0x9f: {  	s19 =	simm.s32 $_scs_section_size  }
0xa0: {  	s5 =	simm.s32 $_size__tile_overlayer_lowered;
	s6 =	simm.s32 $_tile_overlayer_lowered  }
0xa1: {  	s22 =	simm.s32 $0x1BFF;
	s21 =	sshll.u32 s6, $0x1;
	s3 =	sadd.s32 s19, s18  }
0xa2: {  	s7 =	simm.s32 $0x0;
	s20 =	sshll.u32 s5, $0x1;
	s5 =	sadd.s32 s21, s3  }
0xa3: {  	[timem:s7], [sflag:s22] =	dma.local [hbm:s5], s20  }
0xa4: {  	_ =	swait.ge [sflag:s22], s20  }
0xa5: {  	s4 =	ssub.s32 $0x0, s20;
	[sflag:s22] =	ssyncset.done $0x0  }
0xa6: {  	[sflag:s22] =	ssyncadd.s32 s4;
	_ =	sdelay $0x1  }
0xa7: {  	s23 =	simm.s32 $0x1B8B  }
0xa8: {  	_ =	swait.ge [sflag:s23], $0x1  }
0xa9: {  	[sflag:s23] =	ssyncset.done $0x0  }
0xaa: {  	s25 =	simm.s32 $0x1B8E;
	s24 =	sld [smem:$0x3FFE];
	[sflag:s23] =	ssyncadd.s32 $0xFFFFFFFF  }
0xab: {  	s26 =	simm.s32 $execute0_lowered;
	[smem:$0x3FD2] =	sst s25  }
0xac: {  	s5 =	sshll.u32 s26, $0x1;
	_ =	strace $0x80000046;
	[dreg:$0x1] =	wrdreg $0xFFFFFFFF  }
0xad: {  	s28 =	simm.s32 $_size_execute0_lowered;
	s3 =	sadd.s32 s3, s5;
	[dreg:$0x0] =	wrdreg $0x0  }
0xae: {  	s5 =	sshll.u32 s28, $0x1;
	[dreg:$0x2] =	wrdreg s3  }
0xaf: {  	[dreg:$0x3] =	wrdreg s5  }
0xb0: {  	[dreg:$0x4] =	wrdreg $0xC0  }
0xb1: {  	_ =	task [dreg:s7], $0x5FFFF  }
0xb2: {  	[dreg:$0x1] =	wrdreg $0xFFFFFFFF  }
0xb3: {  	[dreg:$0x0] =	wrdreg $0x60  }
0xb4: {  	[dreg:$0x2] =	wrdreg s24  }
0xb5: {  	[dreg:$0x3] =	wrdreg s16  }
0xb6: {  	[dreg:$0x4] =	wrdreg $0x9  }
0xb7: {  	_ =	task.clear_ibuf [dreg:s7], $0x5FFFF;
	_ =	strace $0x90000046  }
0xb8: {  	s29 =	simm.s32 $0x9;
	_ =	strace $0x80000048  }
0xb9: {  	_ =	swait.ge [sflag:s29], $0x1  }
0xba: {  	[sflag:s29] =	ssyncadd.s32 $0xFFFFFFFF  }
0xbb: {  	_ =	strace $0x90000048  }
0xbc: {  	_ =	sfence  }
0xbd: {  	s30 =	sld [smem:$0x0];
	_ =	sdelay $0x2  }
0xbe: {  	s31 =	sshll.u32 s1, $0xD;
	s1 =	sshrl.u32 s1, $0x2  }
0xbf: {  	s3 =	sand.u32 $0x4000, s31;
	s1 =	sadd.s32 s1, s30  }
0xc0: {  	s0 =	sor.u32 s3, s0;
	s1 =	sshll.u32 s1, $0x11  }
0xc1: {  	s0 =	sor.u32 s1, s0  }
0xc2: {  	s0 =	sadd.s32 $0x8F2B, s0  }
0xc3: {  	[sflag:s0] =	ssyncadd.remote.s32 $0x1  }
0xc4: {  	_ =	sfence.sel $0xFFFF  }
0xc5: {  	[dreg:$0x0] =	wrdreg $0xFFFFFFFF;
	(pc) =	sbr.abs _section_cstart, $3  }
0xc6: {  	[dreg:$0x1] =	wrdreg $0xFFFFFFFF  }
0xc7: {  	_ =	task.clear_ibuf [dreg:s7], $0x2FFFF;
	_ =	strace $0x9FFFFFFF  }
0xc8: {  	(tm) =	ssettm $0x7FFFFFFF  }
0xc9: {  	_ =	shalt  }
tec
execute0_lowered:
.L_overlay_start_1:
0x0: {  	(tag) =	ssettag $0x1  }
0x1: {  	v0 =	vlaneseq.u32  }
0x2: {  	v0 =	vmul.u32 $0x2, v0;
	_ =	sdelay $0x1  }
0x3: {  	v1 =	vimm.f32 $0.0e+00;
	v3 =	vimm.f32 $1.000000000e+00;
	v2 =	vor.u32 $0x1, v0  }
0x4: {  	v8 =	vor.u32 $0x60, v0;
	v9 =	vor.u32 $0x61, v0;
	v10 =	vor.u32 $0x80, v0  }
0x5: {  	v11 =	vor.u32 $0x81, v0;
	v12 =	vor.u32 $0xA0, v0;
	v13 =	vor.u32 $0xA1, v0  }
0x6: {  	v14 =	vor.u32 $0xC0, v0;
	v15 =	vor.u32 $0xC1, v0;
	v16 =	vor.u32 $0xE0, v0  }
0x7: {  	v17 =	vor.u32 $0xE1, v0;
	v18 =	vor.u32 $0x100, v0;
	v19 =	vor.u32 $0x101, v0  }
0x8: {  	v20 =	vor.u32 $0x120, v0;
	v21 =	vor.u32 $0x121, v0;
	v22 =	vor.u32 $0x140, v0  }
0x9: {  	v23 =	vor.u32 $0x141, v0;
	v24 =	vor.u32 $0x160, v0;
	v25 =	vor.u32 $0x161, v0  }
0xa: {  	v26 =	vor.u32 $0x180, v0;
	v27 =	vor.u32 $0x181, v0;
	v28 =	vor.u32 $0x1A0, v0  }
0xb: {  	v29 =	vor.u32 $0x1A1, v0;
	v30 =	vor.u32 $0x1C0, v0;
	v31 =	vor.u32 $0x1C1, v0  }
0xc: {  	s4 =	rddreg [dreg:$0x0];
	v32 =	vor.u32 $0x1E0, v0;
	v33 =	vor.u32 $0x1E1, v0;
	v34 =	vor.u32 $0x200, v0  }
0xd: {  	s1 =	srdreg.scid;
	s0 =	stileid.u32;
	v35 =	vor.u32 $0x201, v0;
	v36 =	vor.u32 $0x220, v0;
	v37 =	vor.u32 $0x221, v0  }
0xe: {  	s5 =	rddreg [dreg:$0x1];
	s2 =	simm.s32 $0x0;
	s11 =	simm.s32 $0xE00;
	v38 =	vor.u32 $0x240, v0;
	v39 =	vor.u32 $0x241, v0;
	v40 =	vor.u32 $0x260, v0  }
0xf: {  	s12 =	simm.s32 $0x80;
	s3 =	sand.u32 $0x1, s1;
	s1 =	rddreg [dreg:$0x2];
	v41 =	vor.u32 $0x261, v0;
	v42 =	vor.u32 $0x280, v0;
	v43 =	vor.u32 $0x281, v0  }
0x10: {  	s13 =	simm.s32 $0x400;
	s6 =	sshll.u32 s0, $0x1;
	[smem:$0x7FF] =	sst s2;
	v44 =	vor.u32 $0x2A0, v0;
	v45 =	vor.u32 $0x2A1, v0;
	v46 =	vor.u32 $0x2C0, v0  }
0x11: {  	s8 =	sshll.u32 s0, $0xB;
	s6 =	sor.u32 s3, s6;
	s9 =	ssub.s32 $0x2, s3;
	v47 =	vor.u32 $0x2C1, v0;
	v48 =	vor.u32 $0x2E0, v0;
	v49 =	vor.u32 $0x2E1, v0  }
0x12: {  	s3 =	sadd.s32 $0xE00, s4;
	s7 =	sshll.u32 s6, $0x7;
	s6 =	sshll.u32 s6, $0x6;
	v50 =	vor.u32 $0x300, v0;
	v51 =	vor.u32 $0x301, v0;
	[tilespmem:$0x1FFB0] =	vst v2;
	v2 =	vor.u32 $0x20, v0  }
0x13: {  	s10 =	sshrl.u32 s9, $0x1;
	v52 =	vor.u32 $0x320, v0;
	v53 =	vor.u32 $0x321, v0;
	s8 =	sor.u32 s8, s7;
	s6 =	sadd.s32 s6, s4;
	[tilespmem:$0x1FFC0] =	vst v2;
	v2 =	vor.u32 $0x21, v0  }
0x14: {  	v54 =	vor.u32 $0x340, v0;
	v55 =	vor.u32 $0x341, v0;
	s9 =	ssub.s32 s9, s10;
	s5 =	sadd.s32 s5, s7;
	s8 =	sand.u32 $0x6380, s8;
	[tilespmem:$0x1FFD0] =	vst v2;
	v2 =	vor.u32 $0x40, v0  }
0x15: {  	v56 =	vor.u32 $0x360, v0;
	v57 =	vor.u32 $0x361, v0;
	s10 =	simm.s32 $0xA00;
	s7 =	smax.u32 s9, $0x1;
	s8 =	sshrl.u32 s8, $0x3;
	[tilespmem:$0x1FFE0] =	vst v2;
	v2 =	vor.u32 $0x41, v0  }
0x16: {  	v58 =	vor.u32 $0x380, v0;
	v59 =	vor.u32 $0x381, v0;
	v60 =	vor.u32 $0x3A0, v0;
	s9 =	simm.s32 $0x200;
	s8 =	sadd.s32 s8, s4;
	s4 =	sadd.s32 $0x1000, s6;
	[tilespmem:$0x1FFF0] =	vst v2  }
0x17: {  	v61 =	vor.u32 $0x3A1, v0;
	v62 =	vor.u32 $0x3C0, v0;
	v63 =	vor.u32 $0x3C1, v0;
	s6 =	sadd.s32 $0x1800, s8;
	s8 =	simm.s32 $0x1;
	_ =	strace $0x80000047  }
.LBB2_1:
0x18: {  	[tilespmem:s2], [sflag:$0x1] =	stream.linear.gather [hbm4b:s4+s2], $0x200, $0x38;
	[tilespmem:$0x1200] =	vst v63  }
0x19: {  	_ =	swait.ge [sflag:s8], $0x200  }
0x1a: {  	[sflag:s8] =	ssyncset.done $0x0  }
0x1b: {  	[sflag:s8] =	ssyncadd.s32 $0xFFFFFE00  }
0x1c: {  	[tilespmem:s9], [sflag:$0x1] =	stream.linear.gather [hbm4b:s3+s2], $0x800, $0x38;
	[tilespmem:$0x1200] =	vst v63  }
0x1d: {  	_ =	swait.ge [sflag:s8], $0x800  }
0x1e: {  	[sflag:s8] =	ssyncset.done $0x0  }
0x1f: {  	[sflag:s8] =	ssyncadd.s32 $0xFFFFF800  }
0x20: {  	[tilespmem:$0xE00] =	vst v1  }
0x21: {  	[tilespmem:$0xE10] =	vst v1  }
0x22: {  	[tilespmem:$0xE20] =	vst v1  }
0x23: {  	[tilespmem:$0xE30] =	vst v1  }
0x24: {  	[tilespmem:$0xE40] =	vst v1  }
0x25: {  	[tilespmem:$0xE50] =	vst v1  }
0x26: {  	[tilespmem:$0xE60] =	vst v1  }
0x27: {  	[tilespmem:$0xE70] =	vst v1  }
0x28: {  	[tilespmem:$0xE80] =	vst v1  }
0x29: {  	[tilespmem:$0xE90] =	vst v1  }
0x2a: {  	[tilespmem:$0xEA0] =	vst v1  }
0x2b: {  	[tilespmem:$0xEB0] =	vst v1  }
0x2c: {  	[tilespmem:$0xEC0] =	vst v1  }
0x2d: {  	[tilespmem:$0xED0] =	vst v1  }
0x2e: {  	[tilespmem:$0xEE0] =	vst v1  }
0x2f: {  	[tilespmem:$0xEF0] =	vst v1  }
0x30: {  	[tilespmem:$0xF00] =	vst v1  }
0x31: {  	[tilespmem:$0xF10] =	vst v1  }
0x32: {  	[tilespmem:$0xF20] =	vst v1  }
0x33: {  	[tilespmem:$0xF30] =	vst v1  }
0x34: {  	[tilespmem:$0xF40] =	vst v1  }
0x35: {  	[tilespmem:$0xF50] =	vst v1  }
0x36: {  	[tilespmem:$0xF60] =	vst v1  }
0x37: {  	[tilespmem:$0xF70] =	vst v1  }
0x38: {  	[tilespmem:$0xF80] =	vst v1  }
0x39: {  	[tilespmem:$0xF90] =	vst v1  }
0x3a: {  	[tilespmem:$0xFA0] =	vst v1  }
0x3b: {  	[tilespmem:$0xFB0] =	vst v1  }
0x3c: {  	[tilespmem:$0xFC0] =	vst v1  }
0x3d: {  	[tilespmem:$0xFD0] =	vst v1  }
0x3e: {  	[tilespmem:$0xFE0] =	vst v1  }
0x3f: {  	[tilespmem:$0xFF0] =	vst v1  }
0x40: {  	[tilespmem:$0x1000] =	vst v1  }
0x41: {  	[tilespmem:$0x1010] =	vst v1  }
0x42: {  	[tilespmem:$0x1020] =	vst v1  }
0x43: {  	[tilespmem:$0x1030] =	vst v1  }
0x44: {  	[tilespmem:$0x1040] =	vst v1  }
0x45: {  	[tilespmem:$0x1050] =	vst v1  }
0x46: {  	[tilespmem:$0x1060] =	vst v1  }
0x47: {  	[tilespmem:$0x1070] =	vst v1  }
0x48: {  	[tilespmem:$0x1080] =	vst v1  }
0x49: {  	[tilespmem:$0x1090] =	vst v1  }
0x4a: {  	[tilespmem:$0x10A0] =	vst v1  }
0x4b: {  	[tilespmem:$0x10B0] =	vst v1  }
0x4c: {  	[tilespmem:$0x10C0] =	vst v1  }
0x4d: {  	[tilespmem:$0x10D0] =	vst v1  }
0x4e: {  	[tilespmem:$0x10E0] =	vst v1  }
0x4f: {  	[tilespmem:$0x10F0] =	vst v1  }
0x50: {  	[tilespmem:$0x1100] =	vst v1  }
0x51: {  	[tilespmem:$0x1110] =	vst v1  }
0x52: {  	[tilespmem:$0x1120] =	vst v1  }
0x53: {  	[tilespmem:$0x1130] =	vst v1  }
0x54: {  	[tilespmem:$0x1140] =	vst v1  }
0x55: {  	[tilespmem:$0x1150] =	vst v1  }
0x56: {  	[tilespmem:$0x1160] =	vst v1;
	v2 =	vld [tilespmem:$0x0]  }
0x57: {  	[tilespmem:$0x1170] =	vst v1  }
0x58: {  	[tilespmem:$0x1180] =	vst v1  }
0x59: {  	[tilespmem:$0x1190] =	vst v1  }
0x5a: {  	[tilespmem:$0x11A0] =	vst v1  }
0x5b: {  	[tilespmem:$0x11B0] =	vst v1;
	v4 =	vshll.u32 v2, $0x1  }
0x5c: {  	[tilespmem:$0x11C0] =	vst v1  }
0x5d: {  	[tilespmem:$0x11D0] =	vst v1  }
0x5e: {  	[tilespmem:$0x11E0] =	vst v1  }
0x5f: {  	[tilespmem:$0x11F0] =	vst v1;
	v5 =	vor.u32 $0x1, v4  }
0x60: {  	v4 =	vld.idx.msk [tilespmem:v4+s9+$0x0], $0xffff;
	_ =	sdelay $0x3  }
0x61: {  	v5 =	vld.idx.msk [tilespmem:v5+s9+$0x0], $0xffff  }
0x62: {  	[tilespmem:v0+s10+$0x0] =	vst.idx.msk $0xffff, v4;
	v4 =	vld [tilespmem:$0x1FFB0];
	_ =	sdelay $0x7  }
0x63: {  	[tilespmem:v4+s10+$0x0] =	vst.idx.msk $0xffff, v5  }
0x64: {  	[tilespmem:v2+s11+$0x0] =	vst.idx.add.f32.msk $0xffff, v3  }
0x65: {  	v2 =	vld [tilespmem:$0x10];
	_ =	sdelay $0x4  }
0x66: {  	v4 =	vshll.u32 v2, $0x1;
	_ =	sdelay $0x1  }
0x67: {  	v6 =	vld [tilespmem:$0x1FFC0];
	_ =	sdelay $0x1  }
0x68: {  	v5 =	vor.u32 $0x1, v4  }
0x69: {  	v4 =	vld.idx.msk [tilespmem:v4+s9+$0x0], $0xffff;
	_ =	sdelay $0x3  }
0x6a: {  	v5 =	vld.idx.msk [tilespmem:v5+s9+$0x0], $0xffff  }
0x6b: {  	[tilespmem:v6+s10+$0x0] =	vst.idx.msk $0xffff, v4;
	v4 =	vld [tilespmem:$0x1FFD0];
	_ =	sdelay $0x7  }
0x6c: {  	[tilespmem:v4+s10+$0x0] =	vst.idx.msk $0xffff, v5  }
0x6d: {  	[tilespmem:v2+s11+$0x0] =	vst.idx.add.f32.msk $0xffff, v3  }
0x6e: {  	v2 =	vld [tilespmem:$0x20];
	_ =	sdelay $0x4  }
0x6f: {  	v4 =	vshll.u32 v2, $0x1;
	_ =	sdelay $0x1  }
0x70: {  	v6 =	vld [tilespmem:$0x1FFE0];
	_ =	sdelay $0x1  }
0x71: {  	v5 =	vor.u32 $0x1, v4  }
0x72: {  	v4 =	vld.idx.msk [tilespmem:v4+s9+$0x0], $0xffff;
	_ =	sdelay $0x3  }
0x73: {  	v5 =	vld.idx.msk [tilespmem:v5+s9+$0x0], $0xffff  }
0x74: {  	[tilespmem:v6+s10+$0x0] =	vst.idx.msk $0xffff, v4;
	v4 =	vld [tilespmem:$0x1FFF0];
	_ =	sdelay $0x7  }
0x75: {  	[tilespmem:v4+s10+$0x0] =	vst.idx.msk $0xffff, v5  }
0x76: {  	[tilespmem:v2+s11+$0x0] =	vst.idx.add.f32.msk $0xffff, v3  }
0x77: {  	v2 =	vld [tilespmem:$0x30];
	_ =	sdelay $0x4  }
0x78: {  	v4 =	vshll.u32 v2, $0x1  }
0x79: {  	v5 =	vor.u32 $0x1, v4;
	_ =	sdelay $0x3  }
0x7a: {  	v4 =	vld.idx.msk [tilespmem:v4+s9+$0x0], $0xffff  }
0x7b: {  	v5 =	vld.idx.msk [tilespmem:v5+s9+$0x0], $0xffff;
	_ =	sdelay $0x3  }
0x7c: {  	[tilespmem:v8+s10+$0x0] =	vst.idx.msk $0xffff, v4  }
0x7d: {  	[tilespmem:v9+s10+$0x0] =	vst.idx.msk $0xffff, v5  }
0x7e: {  	[tilespmem:v2+s11+$0x0] =	vst.idx.add.f32.msk $0xffff, v3  }
0x7f: {  	v2 =	vld [tilespmem:$0x40];
	_ =	sdelay $0x4  }
0x80: {  	v4 =	vshll.u32 v2, $0x1  }
0x81: {  	v5 =	vor.u32 $0x1, v4;
	_ =	sdelay $0x3  }
0x82: {  	v4 =	vld.idx.msk [tilespmem:v4+s9+$0x0], $0xffff  }
0x83: {  	v5 =	vld.idx.msk [tilespmem:v5+s9+$0x0], $0xffff;
	_ =	sdelay $0x3  }
0x84: {  	[tilespmem:v10+s10+$0x0] =	vst.idx.msk $0xffff, v4  }
0x85: {  	[tilespmem:v11+s10+$0x0] =	vst.idx.msk $0xffff, v5  }
0x86: {  	[tilespmem:v2+s11+$0x0] =	vst.idx.add.f32.msk $0xffff, v3  }
0x87: {  	v2 =	vld [tilespmem:$0x50];
	_ =	sdelay $0x4  }
0x88: {  	v4 =	vshll.u32 v2, $0x1  }
0x89: {  	v5 =	vor.u32 $0x1, v4;
	_ =	sdelay $0x3  }
0x8a: {  	v4 =	vld.idx.msk [tilespmem:v4+s9+$0x0], $0xffff  }
0x8b: {  	v5 =	vld.idx.msk [tilespmem:v5+s9+$0x0], $0xffff;
	_ =	sdelay $0x3  }
0x8c: {  	[tilespmem:v12+s10+$0x0] =	vst.idx.msk $0xffff, v4  }
0x8d: {  	[tilespmem:v13+s10+$0x0] =	vst.idx.msk $0xffff, v5  }
0x8e: {  	[tilespmem:v2+s11+$0x0] =	vst.idx.add.f32.msk $0xffff, v3  }
0x8f: {  	v2 =	vld [tilespmem:$0x60];
	_ =	sdelay $0x4  }
0x90: {  	v4 =	vshll.u32 v2, $0x1  }
0x91: {  	v5 =	vor.u32 $0x1, v4;
	_ =	sdelay $0x3  }
0x92: {  	v4 =	vld.idx.msk [tilespmem:v4+s9+$0x0], $0xffff  }
0x93: {  	v5 =	vld.idx.msk [tilespmem:v5+s9+$0x0], $0xffff;
	_ =	sdelay $0x3  }
0x94: {  	[tilespmem:v14+s10+$0x0] =	vst.idx.msk $0xffff, v4  }
0x95: {  	[tilespmem:v15+s10+$0x0] =	vst.idx.msk $0xffff, v5  }
0x96: {  	[tilespmem:v2+s11+$0x0] =	vst.idx.add.f32.msk $0xffff, v3  }
0x97: {  	v2 =	vld [tilespmem:$0x70];
	_ =	sdelay $0x4  }
0x98: {  	v4 =	vshll.u32 v2, $0x1  }
0x99: {  	v5 =	vor.u32 $0x1, v4;
	_ =	sdelay $0x3  }
0x9a: {  	v4 =	vld.idx.msk [tilespmem:v4+s9+$0x0], $0xffff  }
0x9b: {  	v5 =	vld.idx.msk [tilespmem:v5+s9+$0x0], $0xffff;
	_ =	sdelay $0x3  }
0x9c: {  	[tilespmem:v16+s10+$0x0] =	vst.idx.msk $0xffff, v4  }
0x9d: {  	[tilespmem:v17+s10+$0x0] =	vst.idx.msk $0xffff, v5  }
0x9e: {  	[tilespmem:v2+s11+$0x0] =	vst.idx.add.f32.msk $0xffff, v3  }
0x9f: {  	v2 =	vld [tilespmem:$0x80];
	_ =	sdelay $0x4  }
0xa0: {  	v4 =	vshll.u32 v2, $0x1  }
0xa1: {  	v5 =	vor.u32 $0x1, v4;
	_ =	sdelay $0x3  }
0xa2: {  	v4 =	vld.idx.msk [tilespmem:v4+s9+$0x0], $0xffff  }
0xa3: {  	v5 =	vld.idx.msk [tilespmem:v5+s9+$0x0], $0xffff;
	_ =	sdelay $0x3  }
0xa4: {  	[tilespmem:v18+s10+$0x0] =	vst.idx.msk $0xffff, v4  }
0xa5: {  	[tilespmem:v19+s10+$0x0] =	vst.idx.msk $0xffff, v5  }
0xa6: {  	[tilespmem:v2+s11+$0x0] =	vst.idx.add.f32.msk $0xffff, v3  }
0xa7: {  	v2 =	vld [tilespmem:$0x90];
	_ =	sdelay $0x4  }
0xa8: {  	v4 =	vshll.u32 v2, $0x1  }
0xa9: {  	v5 =	vor.u32 $0x1, v4;
	_ =	sdelay $0x3  }
0xaa: {  	v4 =	vld.idx.msk [tilespmem:v4+s9+$0x0], $0xffff  }
0xab: {  	v5 =	vld.idx.msk [tilespmem:v5+s9+$0x0], $0xffff;
	_ =	sdelay $0x3  }
0xac: {  	[tilespmem:v20+s10+$0x0] =	vst.idx.msk $0xffff, v4  }
0xad: {  	[tilespmem:v21+s10+$0x0] =	vst.idx.msk $0xffff, v5  }
0xae: {  	[tilespmem:v2+s11+$0x0] =	vst.idx.add.f32.msk $0xffff, v3  }
0xaf: {  	v2 =	vld [tilespmem:$0xA0];
	_ =	sdelay $0x4  }
0xb0: {  	v4 =	vshll.u32 v2, $0x1  }
0xb1: {  	v5 =	vor.u32 $0x1, v4;
	_ =	sdelay $0x3  }
0xb2: {  	v4 =	vld.idx.msk [tilespmem:v4+s9+$0x0], $0xffff  }
0xb3: {  	v5 =	vld.idx.msk [tilespmem:v5+s9+$0x0], $0xffff;
	_ =	sdelay $0x3  }
0xb4: {  	[tilespmem:v22+s10+$0x0] =	vst.idx.msk $0xffff, v4  }
0xb5: {  	[tilespmem:v23+s10+$0x0] =	vst.idx.msk $0xffff, v5  }
0xb6: {  	[tilespmem:v2+s11+$0x0] =	vst.idx.add.f32.msk $0xffff, v3  }
0xb7: {  	v2 =	vld [tilespmem:$0xB0];
	_ =	sdelay $0x4  }
0xb8: {  	v4 =	vshll.u32 v2, $0x1  }
0xb9: {  	v5 =	vor.u32 $0x1, v4;
	_ =	sdelay $0x3  }
0xba: {  	v4 =	vld.idx.msk [tilespmem:v4+s9+$0x0], $0xffff  }
0xbb: {  	v5 =	vld.idx.msk [tilespmem:v5+s9+$0x0], $0xffff;
	_ =	sdelay $0x3  }
0xbc: {  	[tilespmem:v24+s10+$0x0] =	vst.idx.msk $0xffff, v4  }
0xbd: {  	[tilespmem:v25+s10+$0x0] =	vst.idx.msk $0xffff, v5  }
0xbe: {  	[tilespmem:v2+s11+$0x0] =	vst.idx.add.f32.msk $0xffff, v3  }
0xbf: {  	v2 =	vld [tilespmem:$0xC0];
	_ =	sdelay $0x4  }
0xc0: {  	v4 =	vshll.u32 v2, $0x1  }
0xc1: {  	v5 =	vor.u32 $0x1, v4;
	_ =	sdelay $0x3  }
0xc2: {  	v4 =	vld.idx.msk [tilespmem:v4+s9+$0x0], $0xffff  }
0xc3: {  	v5 =	vld.idx.msk [tilespmem:v5+s9+$0x0], $0xffff;
	_ =	sdelay $0x3  }
0xc4: {  	[tilespmem:v26+s10+$0x0] =	vst.idx.msk $0xffff, v4  }
0xc5: {  	[tilespmem:v27+s10+$0x0] =	vst.idx.msk $0xffff, v5  }
0xc6: {  	[tilespmem:v2+s11+$0x0] =	vst.idx.add.f32.msk $0xffff, v3  }
0xc7: {  	v2 =	vld [tilespmem:$0xD0];
	_ =	sdelay $0x4  }
0xc8: {  	v4 =	vshll.u32 v2, $0x1  }
0xc9: {  	v5 =	vor.u32 $0x1, v4;
	_ =	sdelay $0x3  }
0xca: {  	v4 =	vld.idx.msk [tilespmem:v4+s9+$0x0], $0xffff  }
0xcb: {  	v5 =	vld.idx.msk [tilespmem:v5+s9+$0x0], $0xffff;
	_ =	sdelay $0x3  }
0xcc: {  	[tilespmem:v28+s10+$0x0] =	vst.idx.msk $0xffff, v4  }
0xcd: {  	[tilespmem:v29+s10+$0x0] =	vst.idx.msk $0xffff, v5  }
0xce: {  	[tilespmem:v2+s11+$0x0] =	vst.idx.add.f32.msk $0xffff, v3  }
0xcf: {  	v2 =	vld [tilespmem:$0xE0];
	_ =	sdelay $0x4  }
0xd0: {  	v4 =	vshll.u32 v2, $0x1  }
0xd1: {  	v5 =	vor.u32 $0x1, v4;
	_ =	sdelay $0x3  }
0xd2: {  	v4 =	vld.idx.msk [tilespmem:v4+s9+$0x0], $0xffff  }
0xd3: {  	v5 =	vld.idx.msk [tilespmem:v5+s9+$0x0], $0xffff;
	_ =	sdelay $0x3  }
0xd4: {  	[tilespmem:v30+s10+$0x0] =	vst.idx.msk $0xffff, v4  }
0xd5: {  	[tilespmem:v31+s10+$0x0] =	vst.idx.msk $0xffff, v5  }
0xd6: {  	[tilespmem:v2+s11+$0x0] =	vst.idx.add.f32.msk $0xffff, v3  }
0xd7: {  	v2 =	vld [tilespmem:$0xF0];
	_ =	sdelay $0x4  }
0xd8: {  	v4 =	vshll.u32 v2, $0x1  }
0xd9: {  	v5 =	vor.u32 $0x1, v4;
	_ =	sdelay $0x3  }
0xda: {  	v4 =	vld.idx.msk [tilespmem:v4+s9+$0x0], $0xffff  }
0xdb: {  	v5 =	vld.idx.msk [tilespmem:v5+s9+$0x0], $0xffff;
	_ =	sdelay $0x3  }
0xdc: {  	[tilespmem:v32+s10+$0x0] =	vst.idx.msk $0xffff, v4  }
0xdd: {  	[tilespmem:v33+s10+$0x0] =	vst.idx.msk $0xffff, v5  }
0xde: {  	[tilespmem:v2+s11+$0x0] =	vst.idx.add.f32.msk $0xffff, v3  }
0xdf: {  	v2 =	vld [tilespmem:$0x100];
	_ =	sdelay $0x4  }
0xe0: {  	v4 =	vshll.u32 v2, $0x1  }
0xe1: {  	v5 =	vor.u32 $0x1, v4;
	_ =	sdelay $0x3  }
0xe2: {  	v4 =	vld.idx.msk [tilespmem:v4+s9+$0x0], $0xffff  }
0xe3: {  	v5 =	vld.idx.msk [tilespmem:v5+s9+$0x0], $0xffff;
	_ =	sdelay $0x3  }
0xe4: {  	[tilespmem:v34+s10+$0x0] =	vst.idx.msk $0xffff, v4  }
0xe5: {  	[tilespmem:v35+s10+$0x0] =	vst.idx.msk $0xffff, v5  }
0xe6: {  	[tilespmem:v2+s11+$0x0] =	vst.idx.add.f32.msk $0xffff, v3  }
0xe7: {  	v2 =	vld [tilespmem:$0x110];
	_ =	sdelay $0x4  }
0xe8: {  	v4 =	vshll.u32 v2, $0x1  }
0xe9: {  	v5 =	vor.u32 $0x1, v4;
	_ =	sdelay $0x3  }
0xea: {  	v4 =	vld.idx.msk [tilespmem:v4+s9+$0x0], $0xffff  }
0xeb: {  	v5 =	vld.idx.msk [tilespmem:v5+s9+$0x0], $0xffff;
	_ =	sdelay $0x3  }
0xec: {  	[tilespmem:v36+s10+$0x0] =	vst.idx.msk $0xffff, v4  }
0xed: {  	[tilespmem:v37+s10+$0x0] =	vst.idx.msk $0xffff, v5  }
0xee: {  	[tilespmem:v2+s11+$0x0] =	vst.idx.add.f32.msk $0xffff, v3  }
0xef: {  	v2 =	vld [tilespmem:$0x120];
	_ =	sdelay $0x4  }
0xf0: {  	v4 =	vshll.u32 v2, $0x1  }
0xf1: {  	v5 =	vor.u32 $0x1, v4;
	_ =	sdelay $0x3  }
0xf2: {  	v4 =	vld.idx.msk [tilespmem:v4+s9+$0x0], $0xffff  }
0xf3: {  	v5 =	vld.idx.msk [tilespmem:v5+s9+$0x0], $0xffff;
	_ =	sdelay $0x3  }
0xf4: {  	[tilespmem:v38+s10+$0x0] =	vst.idx.msk $0xffff, v4  }
0xf5: {  	[tilespmem:v39+s10+$0x0] =	vst.idx.msk $0xffff, v5  }
0xf6: {  	[tilespmem:v2+s11+$0x0] =	vst.idx.add.f32.msk $0xffff, v3  }
0xf7: {  	v2 =	vld [tilespmem:$0x130];
	_ =	sdelay $0x4  }
0xf8: {  	v4 =	vshll.u32 v2, $0x1  }
0xf9: {  	v5 =	vor.u32 $0x1, v4;
	_ =	sdelay $0x3  }
0xfa: {  	v4 =	vld.idx.msk [tilespmem:v4+s9+$0x0], $0xffff  }
0xfb: {  	v5 =	vld.idx.msk [tilespmem:v5+s9+$0x0], $0xffff;
	_ =	sdelay $0x3  }
0xfc: {  	[tilespmem:v40+s10+$0x0] =	vst.idx.msk $0xffff, v4  }
0xfd: {  	[tilespmem:v41+s10+$0x0] =	vst.idx.msk $0xffff, v5  }
0xfe: {  	[tilespmem:v2+s11+$0x0] =	vst.idx.add.f32.msk $0xffff, v3  }
0xff: {  	v2 =	vld [tilespmem:$0x140];
	_ =	sdelay $0x4  }
0x100: {  	v4 =	vshll.u32 v2, $0x1  }
0x101: {  	v5 =	vor.u32 $0x1, v4;
	_ =	sdelay $0x3  }
0x102: {  	v4 =	vld.idx.msk [tilespmem:v4+s9+$0x0], $0xffff  }
0x103: {  	v5 =	vld.idx.msk [tilespmem:v5+s9+$0x0], $0xffff;
	_ =	sdelay $0x3  }
0x104: {  	[tilespmem:v42+s10+$0x0] =	vst.idx.msk $0xffff, v4  }
0x105: {  	[tilespmem:v43+s10+$0x0] =	vst.idx.msk $0xffff, v5  }
0x106: {  	[tilespmem:v2+s11+$0x0] =	vst.idx.add.f32.msk $0xffff, v3  }
0x107: {  	v2 =	vld [tilespmem:$0x150];
	_ =	sdelay $0x4  }
0x108: {  	v4 =	vshll.u32 v2, $0x1  }
0x109: {  	v5 =	vor.u32 $0x1, v4;
	_ =	sdelay $0x3  }
0x10a: {  	v4 =	vld.idx.msk [tilespmem:v4+s9+$0x0], $0xffff  }
0x10b: {  	v5 =	vld.idx.msk [tilespmem:v5+s9+$0x0], $0xffff;
	_ =	sdelay $0x3  }
0x10c: {  	[tilespmem:v44+s10+$0x0] =	vst.idx.msk $0xffff, v4  }
0x10d: {  	[tilespmem:v45+s10+$0x0] =	vst.idx.msk $0xffff, v5  }
0x10e: {  	[tilespmem:v2+s11+$0x0] =	vst.idx.add.f32.msk $0xffff, v3  }
0x10f: {  	v2 =	vld [tilespmem:$0x160];
	_ =	sdelay $0x4  }
0x110: {  	v4 =	vshll.u32 v2, $0x1  }
0x111: {  	v5 =	vor.u32 $0x1, v4;
	_ =	sdelay $0x3  }
0x112: {  	v4 =	vld.idx.msk [tilespmem:v4+s9+$0x0], $0xffff  }
0x113: {  	v5 =	vld.idx.msk [tilespmem:v5+s9+$0x0], $0xffff;
	_ =	sdelay $0x3  }
0x114: {  	[tilespmem:v46+s10+$0x0] =	vst.idx.msk $0xffff, v4  }
0x115: {  	[tilespmem:v47+s10+$0x0] =	vst.idx.msk $0xffff, v5  }
0x116: {  	[tilespmem:v2+s11+$0x0] =	vst.idx.add.f32.msk $0xffff, v3  }
0x117: {  	v2 =	vld [tilespmem:$0x170];
	_ =	sdelay $0x4  }
0x118: {  	v4 =	vshll.u32 v2, $0x1  }
0x119: {  	v5 =	vor.u32 $0x1, v4;
	_ =	sdelay $0x3  }
0x11a: {  	v4 =	vld.idx.msk [tilespmem:v4+s9+$0x0], $0xffff  }
0x11b: {  	v5 =	vld.idx.msk [tilespmem:v5+s9+$0x0], $0xffff;
	_ =	sdelay $0x3  }
0x11c: {  	[tilespmem:v48+s10+$0x0] =	vst.idx.msk $0xffff, v4  }
0x11d: {  	[tilespmem:v49+s10+$0x0] =	vst.idx.msk $0xffff, v5  }
0x11e: {  	[tilespmem:v2+s11+$0x0] =	vst.idx.add.f32.msk $0xffff, v3  }
0x11f: {  	v2 =	vld [tilespmem:$0x180];
	_ =	sdelay $0x4  }
0x120: {  	v4 =	vshll.u32 v2, $0x1  }
0x121: {  	v5 =	vor.u32 $0x1, v4;
	_ =	sdelay $0x3  }
0x122: {  	v4 =	vld.idx.msk [tilespmem:v4+s9+$0x0], $0xffff  }
0x123: {  	v5 =	vld.idx.msk [tilespmem:v5+s9+$0x0], $0xffff;
	_ =	sdelay $0x3  }
0x124: {  	[tilespmem:v50+s10+$0x0] =	vst.idx.msk $0xffff, v4  }
0x125: {  	[tilespmem:v51+s10+$0x0] =	vst.idx.msk $0xffff, v5  }
0x126: {  	[tilespmem:v2+s11+$0x0] =	vst.idx.add.f32.msk $0xffff, v3  }
0x127: {  	v2 =	vld [tilespmem:$0x190];
	_ =	sdelay $0x4  }
0x128: {  	v4 =	vshll.u32 v2, $0x1  }
0x129: {  	v5 =	vor.u32 $0x1, v4;
	_ =	sdelay $0x3  }
0x12a: {  	v4 =	vld.idx.msk [tilespmem:v4+s9+$0x0], $0xffff  }
0x12b: {  	v5 =	vld.idx.msk [tilespmem:v5+s9+$0x0], $0xffff;
	_ =	sdelay $0x3  }
0x12c: {  	[tilespmem:v52+s10+$0x0] =	vst.idx.msk $0xffff, v4  }
0x12d: {  	[tilespmem:v53+s10+$0x0] =	vst.idx.msk $0xffff, v5  }
0x12e: {  	[tilespmem:v2+s11+$0x0] =	vst.idx.add.f32.msk $0xffff, v3  }
0x12f: {  	v2 =	vld [tilespmem:$0x1A0];
	_ =	sdelay $0x4  }
0x130: {  	v4 =	vshll.u32 v2, $0x1  }
0x131: {  	v5 =	vor.u32 $0x1, v4;
	_ =	sdelay $0x3  }
0x132: {  	v4 =	vld.idx.msk [tilespmem:v4+s9+$0x0], $0xffff  }
0x133: {  	v5 =	vld.idx.msk [tilespmem:v5+s9+$0x0], $0xffff;
	_ =	sdelay $0x3  }
0x134: {  	[tilespmem:v54+s10+$0x0] =	vst.idx.msk $0xffff, v4  }
0x135: {  	[tilespmem:v55+s10+$0x0] =	vst.idx.msk $0xffff, v5  }
0x136: {  	[tilespmem:v2+s11+$0x0] =	vst.idx.add.f32.msk $0xffff, v3  }
0x137: {  	v2 =	vld [tilespmem:$0x1B0];
	_ =	sdelay $0x4  }
0x138: {  	v4 =	vshll.u32 v2, $0x1  }
0x139: {  	v5 =	vor.u32 $0x1, v4;
	_ =	sdelay $0x3  }
0x13a: {  	v4 =	vld.idx.msk [tilespmem:v4+s9+$0x0], $0xffff  }
0x13b: {  	v5 =	vld.idx.msk [tilespmem:v5+s9+$0x0], $0xffff;
	_ =	sdelay $0x3  }
0x13c: {  	[tilespmem:v56+s10+$0x0] =	vst.idx.msk $0xffff, v4  }
0x13d: {  	[tilespmem:v57+s10+$0x0] =	vst.idx.msk $0xffff, v5  }
0x13e: {  	[tilespmem:v2+s11+$0x0] =	vst.idx.add.f32.msk $0xffff, v3  }
0x13f: {  	v2 =	vld [tilespmem:$0x1C0];
	_ =	sdelay $0x4  }
0x140: {  	v4 =	vshll.u32 v2, $0x1  }
0x141: {  	v5 =	vor.u32 $0x1, v4;
	_ =	sdelay $0x3  }
0x142: {  	v4 =	vld.idx.msk [tilespmem:v4+s9+$0x0], $0xffff  }
0x143: {  	v5 =	vld.idx.msk [tilespmem:v5+s9+$0x0], $0xffff;
	_ =	sdelay $0x3  }
0x144: {  	[tilespmem:v58+s10+$0x0] =	vst.idx.msk $0xffff, v4  }
0x145: {  	[tilespmem:v59+s10+$0x0] =	vst.idx.msk $0xffff, v5  }
0x146: {  	[tilespmem:v2+s11+$0x0] =	vst.idx.add.f32.msk $0xffff, v3  }
0x147: {  	v2 =	vld [tilespmem:$0x1D0];
	_ =	sdelay $0x4  }
0x148: {  	v4 =	vshll.u32 v2, $0x1  }
0x149: {  	v5 =	vor.u32 $0x1, v4;
	_ =	sdelay $0x3  }
0x14a: {  	v4 =	vld.idx.msk [tilespmem:v4+s9+$0x0], $0xffff  }
0x14b: {  	v5 =	vld.idx.msk [tilespmem:v5+s9+$0x0], $0xffff;
	_ =	sdelay $0x3  }
0x14c: {  	[tilespmem:v60+s10+$0x0] =	vst.idx.msk $0xffff, v4  }
0x14d: {  	[tilespmem:v61+s10+$0x0] =	vst.idx.msk $0xffff, v5  }
0x14e: {  	[tilespmem:v2+s11+$0x0] =	vst.idx.add.f32.msk $0xffff, v3  }
0x14f: {  	v2 =	vld [tilespmem:$0x1E0];
	_ =	sdelay $0x4  }
0x150: {  	v4 =	vshll.u32 v2, $0x1  }
0x151: {  	v5 =	vor.u32 $0x1, v4;
	_ =	sdelay $0x3  }
0x152: {  	v4 =	vld.idx.msk [tilespmem:v4+s9+$0x0], $0xffff  }
0x153: {  	v5 =	vld.idx.msk [tilespmem:v5+s9+$0x0], $0xffff;
	_ =	sdelay $0x3  }
0x154: {  	[tilespmem:v62+s10+$0x0] =	vst.idx.msk $0xffff, v4  }
0x155: {  	[tilespmem:v63+s10+$0x0] =	vst.idx.msk $0xffff, v5  }
0x156: {  	[tilespmem:v2+s11+$0x0] =	vst.idx.add.f32.msk $0xffff, v3  }
0x157: {  	v2 =	vld [tilespmem:$0x1F0];
	_ =	sdelay $0x4  }
0x158: {  	v4 =	vshll.u32 v2, $0x1  }
0x159: {  	v5 =	vor.u32 $0x1, v4;
	_ =	sdelay $0x3  }
0x15a: {  	v6 =	vor.u32 $0x3E0, v0;
	v4 =	vld.idx.msk [tilespmem:v4+s9+$0x0], $0xffff  }
0x15b: {  	v7 =	vor.u32 $0x3E1, v0;
	v5 =	vld.idx.msk [tilespmem:v5+s9+$0x0], $0xffff;
	_ =	sdelay $0x3  }
0x15c: {  	[tilespmem:v6+s10+$0x0] =	vst.idx.msk $0xffff, v4  }
0x15d: {  	[tilespmem:v7+s10+$0x0] =	vst.idx.msk $0xffff, v5  }
0x15e: {  	[tilespmem:v2+s11+$0x0] =	vst.idx.add.f32.msk $0xffff, v3  }
0x15f: {  	[hbm4b:s5+s2] =	stream.linear.scatter [tilespmem:s10], [sflag:$0x1], $0x400, $0x38;
	[tilespmem:$0x1200] =	vst v63  }
0x160: {  	_ =	swait.ge [sflag:s8], $0x400  }
0x161: {  	p0 =	sne.s32 s7, $0x1;
	[sflag:s8] =	ssyncset.done $0x0  }
.Ltmp0:
0x162: {  	[sflag:s8] =	ssyncadd.s32 $0xFFFFFC00;
	(pc) =	sbr.rel @p0 .LBB2_1-.Ltmp0, $4  }
0x163: {  	[hbm4b:s6+s12] =	stream.strided.scatter [tilespmem:s11], [sflag:$0x1], $0x400, s13, s12, $0x38;
	[tilespmem:$0x1200] =	vst v63  }
0x164: {  	_ =	swait.ge [sflag:s8], $0x400  }
0x165: {  	[sflag:s8] =	ssyncset.done $0x0  }
0x166: {  	s7 =	sadd.s32 $0xFFFFFFFF, s7;
	[sflag:s8] =	ssyncadd.s32 $0xFFFFFC00  }
0x167: {  	_ =	sfence.sel $0x180000  }
0x168: {  	[bflag:$0x0] =	sbarrier.arrive $0xFFFF  }
0x169: {  	p0 =	sne.s32 s0, $0x0;
	_ =	strace $0x90000047  }
0x16a: {  	s0 =	sadd.s32 @!p0 $0x100000, s1;
	[bflag:$0x2] =	sbarrier.arrive $0xFFFF  }
0x16b: {  	[sflag:s0] =	ssyncadd.tile.s32 @!p0 $0x1;
	_ =	shalt  }
.Lfunc_end2:
_tile_overlayer_lowered:
.L_overlay_start_2:
0x16c: {  	(tag) =	ssettag $0x2  }
0x16d: {  	s0 =	rddreg [dreg:$0x0];
	s2 =	stileid.u32  }
0x16e: {  	s1 =	rddreg [dreg:$0x1];
	p0 =	sne.s32 s2, $0x0  }
0x16f: {  	s3 =	rddreg [dreg:$0x2];
	[bflag:$0x3] =	sbarrier.arrive $0xFFFF;
	s2 =	simm.s32 @!p0 $0x1C01  }
0x170: {  	[timem:s3], [sflag:s2] =	dma.local @!p0 [hbm:s0], s1  }
0x171: {  	s0 =	simm.s32 @!p0 $0x1  }
0x172: {  	_ =	swait.ge @!p0 [sflag:s0], s1  }
0x173: {  	s1 =	ssub.s32 @!p0 $0x0, s1;
	[sflag:s0] =	ssyncset.done @!p0 $0x0  }
0x174: {  	[sflag:s0] =	ssyncadd.s32 @!p0 s1  }
0x175: {  	[bflag:$0x3] =	sbarrier.arrive $0xFFFF  }
0x176: {  	_ =	shalt  }

</sc_bundles>
